<compile_context>
chip_gen: v7x
topology: tpu7x:2x2x1
jax: 0.10.2.dev20260603
libtpu: 0.0.44.dev20260713+nightly
codegen_flags: <defaults>
</compile_context>

<pallas_src>
import functools

import jax
import jax.numpy as jnp
from jax import lax
from jax.experimental import pallas as pl
from jax.experimental.pallas import tpu as pltpu
from jax.experimental.pallas import tpu_sc as plsc

_NUM_TYPES = 8
_IN_F = 1024
_OUT_F = 1024
_N = 2048

_BLK = 256
_NB = _N // _BLK + _NUM_TYPES
_TOTAL = _NB * _BLK

_NC = 2
_NS = 16
_NW = _NC * _NS


@functools.lru_cache(maxsize=None)
def _make_sc_dispatch(num_rows, num_slots, feat):
    n_per_w = num_rows // _NW
    assert num_rows % _NW == 0 and n_per_w % 8 == 0
    mesh = plsc.VectorSubcoreMesh(
        core_axis_name="c", subcore_axis_name="s",
        num_cores=_NC, num_subcores=_NS)

    @functools.partial(
        pl.kernel, mesh=mesh,
        out_type=jax.ShapeDtypeStruct((num_slots, feat), jnp.float32),
        scratch_types=[
            pltpu.VMEM((n_per_w,), jnp.int32),
            pltpu.VMEM((n_per_w, feat), jnp.float32),
            pltpu.SemaphoreType.DMA,
        ],
    )
    def dispatch_k(x_hbm, slot_hbm, out_hbm, idx_v, rows_v, sem):
        wid = lax.axis_index("s") * _NC + lax.axis_index("c")
        base = wid * n_per_w
        pltpu.sync_copy(slot_hbm.at[pl.ds(base, n_per_w)], idx_v)
        pltpu.sync_copy(x_hbm.at[pl.ds(base, n_per_w)], rows_v)
        pltpu.async_copy(rows_v, out_hbm.at[idx_v], sem).wait()

    return dispatch_k


@functools.lru_cache(maxsize=None)
def _make_sc_gather(num_idx, feat):
    b_per_w = num_idx // _NW
    assert num_idx % _NW == 0 and b_per_w % 8 == 0
    mesh = plsc.VectorSubcoreMesh(
        core_axis_name="c", subcore_axis_name="s",
        num_cores=_NC, num_subcores=_NS)

    @functools.partial(
        pl.kernel, mesh=mesh,
        out_type=jax.ShapeDtypeStruct((num_idx, feat), jnp.float32),
        scratch_types=[
            pltpu.VMEM((b_per_w,), jnp.int32),
            pltpu.VMEM((b_per_w, feat), jnp.float32),
            pltpu.SemaphoreType.DMA,
        ],
    )
    def gather_k(table_hbm, idx_hbm, out_hbm, idx_v, rows_v, sem):
        wid = lax.axis_index("s") * _NC + lax.axis_index("c")
        base = wid * b_per_w
        pltpu.sync_copy(idx_hbm.at[pl.ds(base, b_per_w)], idx_v)
        pltpu.async_copy(table_hbm.at[idx_v], rows_v, sem).wait()
        pltpu.sync_copy(rows_v, out_hbm.at[pl.ds(base, b_per_w)])

    return gather_k


def _route_body(t_ref, slot_ref, sc_ref):
    t2d = t_ref[...]
    t8 = jnp.concatenate([t2d] * _NUM_TYPES, axis=0)
    ri = lax.broadcasted_iota(jnp.int32, (128, 128), 0)
    ci = lax.broadcasted_iota(jnp.int32, (128, 128), 1)
    rt = ri // 16
    rg = ri % 16
    ct = ci // 16
    cg = ci % 16
    oh = (t8 == rt).astype(jnp.float32)
    upper = (ri <= ci).astype(jnp.float32)
    inner = lax.dot_general(oh, upper, (((1,), (0,)), ((), ())),
                            preferred_element_type=jnp.float32)
    tot_c = inner[:, 127].reshape(1, 128)
    e_off = jnp.sum(((rt == ct) & (cg < rg)).astype(jnp.float32) * tot_c,
                    axis=1, keepdims=True)
    rank = inner + e_off
    cnt = jnp.sum((rt == ct).astype(jnp.float32) * tot_c,
                  axis=1, keepdims=True)
    padded = (((cnt + 0.5).astype(jnp.int32) + _BLK - 1) // _BLK) * _BLK
    paddedf = padded.astype(jnp.float32)
    pstart = jnp.sum(((ct < rt) & (cg == 0)).astype(jnp.float32) *
                     paddedf.reshape(1, 128), axis=1, keepdims=True)
    contrib = (pstart - 1.0 + rank) * oh
    slot2d = jnp.sum(contrib.reshape(_NUM_TYPES, 16, 128), axis=0)
    slot_ref[...] = (slot2d + 0.5).astype(jnp.int32)

    r1 = lax.broadcasted_iota(jnp.int32, (128, 1), 0)
    g1 = r1 % 16
    t1 = r1 // 16
    mask0 = (g1 == 0).astype(jnp.float32)
    totpad = jnp.sum(paddedf * mask0)
    nact_i = totpad.astype(jnp.int32) // _BLK
    bidx = lax.broadcasted_iota(jnp.int32, (1, _NB), 1)
    blkf = (bidx * _BLK).astype(jnp.float32)
    maskp = ((g1 == 0) & (t1 >= 1)).astype(jnp.float32)
    bt = jnp.sum((pstart <= blkf).astype(jnp.float32) * maskp,
                 axis=0, keepdims=True).astype(jnp.int32)
    lastref = jnp.maximum(nact_i - 1, 0)
    last = jnp.sum(bt * (bidx == lastref).astype(jnp.int32))
    active = (bidx * _BLK) < totpad.astype(jnp.int32)
    bt = jnp.where(active, bt, last)
    xi = jnp.where(active, bidx, lastref)
    oi = jnp.where(active, bidx, _NB - 1)
    nv = jnp.full((1, 16), nact_i, jnp.int32)
    sc_ref[...] = jnp.concatenate([bt, xi, oi, nv], axis=1)


def _mm_body(s_ref, x_ref, w_ref, b_ref, o_ref):
    i = pl.program_id(0)

    @pl.when(i < s_ref[3 * _NB])
    def _():
        acc = lax.dot_general(
            x_ref[...], w_ref[0],
            (((1,), (1,)), ((), ())),
            preferred_element_type=jnp.float32,
        )
        o_ref[...] = acc + b_ref[0]


_grid_spec = pltpu.PrefetchScalarGridSpec(
    num_scalar_prefetch=1,
    grid=(_NB,),
    in_specs=[
        pl.BlockSpec((_BLK, _IN_F), lambda i, s: (s[_NB + i], 0)),
        pl.BlockSpec((1, _OUT_F, _IN_F), lambda i, s: (s[i], 0, 0)),
        pl.BlockSpec((1, 1, _OUT_F), lambda i, s: (s[i], 0, 0)),
    ],
    out_specs=pl.BlockSpec((_BLK, _OUT_F), lambda i, s: (s[2 * _NB + i], 0)),
)


def kernel(x, types, W, b):
    slot2d, sc = pl.pallas_call(
        _route_body,
        out_shape=[
            jax.ShapeDtypeStruct((16, 128), jnp.int32),
            jax.ShapeDtypeStruct((1, 64), jnp.int32),
        ],
    )(types.astype(jnp.int32).reshape(16, 128))
    slot = slot2d.reshape(_N)
    scalars = sc.reshape(64)

    x_pad = _make_sc_dispatch(_N, _TOTAL, _IN_F)(x, slot)
    out_pad = pl.pallas_call(
        _mm_body,
        grid_spec=_grid_spec,
        out_shape=jax.ShapeDtypeStruct((_TOTAL, _OUT_F), jnp.float32),
        compiler_params=pltpu.CompilerParams(
            dimension_semantics=("parallel",)),
    )(scalars, x_pad, W, b.reshape(_NUM_TYPES, 1, _OUT_F))
    return _make_sc_gather(_N, _OUT_F)(out_pad, slot)

# --- scband reference (transcript-rebuilt; emitter-appended) ---
"""Pipeline reference for scband-fast-typed-linear-80762565034485 (READ-ONLY COPY).

The authoritative reference and input builder live on the scoring server;
editing this copy changes nothing except your own understanding.
"""

import jax, jax.numpy as jnp
import numpy as np

NUM_TYPES = 8
IN_F = 1024
OUT_F = 1024
N = 2048


def setup_inputs(seed: int = 0) -> dict:
    key = jax.random.key(seed)
    k1, k2, k3, k4 = jax.random.split(key, 4)
    x = jax.random.normal(k1, (N, IN_F), dtype=jnp.float32)
    types = jax.random.randint(k2, (N,), 0, NUM_TYPES, dtype=jnp.int32)
    bound = 1.0 / np.sqrt(IN_F)
    # per-type nn.Linear parameters: W[e] is [out_features, in_features], b[e] is [out_features]
    W = jax.random.uniform(k3, (NUM_TYPES, OUT_F, IN_F), minval=-bound, maxval=bound, dtype=jnp.float32)
    b = jax.random.uniform(k4, (NUM_TYPES, OUT_F), minval=-bound, maxval=bound, dtype=jnp.float32)
    return {"x": x, "types": types, "W": W, "b": b}


def reference(x, types, W, b):
    # Faithful math of FastTypedLinear._forward_general (presorted=False):
    # out[n] = x[n] @ W[types[n]].T + b[types[n]]
    # Compute every type's linear on all tokens, then gather each token's own type.
    outs = jnp.einsum('ni,eoi->neo', x, W) + b[None, :, :]  # [N, E, OUT_F]
    out = jnp.take_along_axis(outs, types[:, None, None].astype(jnp.int32), axis=1)[:, 0, :]
    return out

if __name__ == "__main__":
    import jax
    _d = setup_inputs()
    print(jax.jit(kernel)(*tuple(_d.values())))

</pallas_src>

<mosaic_0001>
#map = affine_map<(d0, d1) -> (0, 0)>
#map1 = affine_map<(d0, d1) -> (0)>
module attributes {stable_mosaic.version = 14 : i64} {
  func.func @dispatch_k(%arg0: i32, %arg1: i32, %arg2: memref<2048x1024xf32, #tpu.memory_space<hbm>>, %arg3: memref<2048xi32, #tpu.memory_space<hbm>>, %arg4: memref<4096x1024xf32, #tpu.memory_space<hbm>>, %arg5: memref<64xi32, #tpu.memory_space<vmem>>, %arg6: memref<64x1024xf32, #tpu.memory_space<vmem>>, %arg7: memref<!tpu.dma_semaphore, #tpu.memory_space<semaphore_mem>>) attributes {dimension_semantics = [#tpu.dimension_semantics<core_parallel>, #tpu.dimension_semantics<subcore_parallel>], iteration_bounds = array<i64: 2, 16>, scalar_prefetch = 0 : i64, scratch_operands = 3 : i64, tpu.core_type = #tpu.core_type<sc_vector_subcore>, window_params = [{transform_indices = #map}, {transform_indices = #map1}, {transform_indices = #map}]} {
    %mul3A = arith.constant 2 : i32
    %mul3A_0 = arith.muli %arg1, %mul3A : i32
    %add3A = arith.addi %mul3A_0, %arg0 : i32
    %mul3A_1 = arith.constant 64 : i32
    %mul3A_2 = arith.muli %add3A, %mul3A_1 : i32
    "tpu.region"() ({
      %run_scoped3A = tpu.sem_alloc : memref<!tpu.dma_semaphore, #tpu.memory_space<semaphore_mem>>
      %dma_start3A_7 = tpu.memref_slice %arg3[%mul3A_2] : memref<2048xi32, #tpu.memory_space<hbm>> -> memref<64xi32, #tpu.memory_space<hbm>>
      %dma_start3A_8 = tpu.memref_slice %arg3[%mul3A_2] : memref<2048xi32, #tpu.memory_space<hbm>> -> memref<64xi32, #tpu.memory_space<hbm>>
      tpu.enqueue_dma source(%dma_start3A_8 : memref<64xi32, #tpu.memory_space<hbm>>) target(%arg5 : memref<64xi32, #tpu.memory_space<vmem>>) target_semaphore(%run_scoped3A : memref<!tpu.dma_semaphore, #tpu.memory_space<semaphore_mem>>)
      %dma_wait3A_9 = tpu.memref_slice %arg3[%mul3A_2] : memref<2048xi32, #tpu.memory_space<hbm>> -> memref<64xi32, #tpu.memory_space<hbm>>
      %dma_wait3A_10 = tpu.memref_slice %arg3[%mul3A_2] : memref<2048xi32, #tpu.memory_space<hbm>> -> memref<64xi32, #tpu.memory_space<hbm>>
      tpu.wait_dma2 semaphore(%run_scoped3A : memref<!tpu.dma_semaphore, #tpu.memory_space<semaphore_mem>>) src(%dma_wait3A_10 : memref<64xi32, #tpu.memory_space<hbm>>) dst(%arg5 : memref<64xi32, #tpu.memory_space<vmem>>)
      tpu.yield
    }) : () -> ()
    "tpu.region"() ({
      %run_scoped3A = tpu.sem_alloc : memref<!tpu.dma_semaphore, #tpu.memory_space<semaphore_mem>>
      %dma_start3A_7 = arith.constant 0 : i32
      %dma_start3A_8 = tpu.memref_slice %arg2[%mul3A_2, %dma_start3A_7] : memref<2048x1024xf32, #tpu.memory_space<hbm>> -> memref<64x1024xf32, #tpu.memory_space<hbm>>
      %dma_start3A_9 = arith.constant 0 : i32
      %dma_start3A_10 = tpu.memref_slice %arg2[%mul3A_2, %dma_start3A_9] : memref<2048x1024xf32, #tpu.memory_space<hbm>> -> memref<64x1024xf32, #tpu.memory_space<hbm>>
      tpu.enqueue_dma source(%dma_start3A_10 : memref<64x1024xf32, #tpu.memory_space<hbm>>) target(%arg6 : memref<64x1024xf32, #tpu.memory_space<vmem>>) target_semaphore(%run_scoped3A : memref<!tpu.dma_semaphore, #tpu.memory_space<semaphore_mem>>)
      %dma_wait3A_11 = arith.constant 0 : i32
      %dma_wait3A_12 = tpu.memref_slice %arg2[%mul3A_2, %dma_wait3A_11] : memref<2048x1024xf32, #tpu.memory_space<hbm>> -> memref<64x1024xf32, #tpu.memory_space<hbm>>
      %dma_wait3A_13 = arith.constant 0 : i32
      %dma_wait3A_14 = tpu.memref_slice %arg2[%mul3A_2, %dma_wait3A_13] : memref<2048x1024xf32, #tpu.memory_space<hbm>> -> memref<64x1024xf32, #tpu.memory_space<hbm>>
      tpu.wait_dma2 semaphore(%run_scoped3A : memref<!tpu.dma_semaphore, #tpu.memory_space<semaphore_mem>>) src(%dma_wait3A_14 : memref<64x1024xf32, #tpu.memory_space<hbm>>) dst(%arg6 : memref<64x1024xf32, #tpu.memory_space<vmem>>)
      tpu.yield
    }) : () -> ()
    %dma_start3A = arith.constant 0 : i32
    %dma_start3A_3 = arith.constant 0 : i32
    %dma_start3A_4 = tpu.memref_slice %arg4[%dma_start3A, %dma_start3A_3] : memref<4096x1024xf32, #tpu.memory_space<hbm>> -> memref<4096x1024xf32, #tpu.memory_space<hbm>>
    tpu.enqueue_indirect_dma source(%arg6 : memref<64x1024xf32, #tpu.memory_space<vmem>>) target(%dma_start3A_4 : memref<4096x1024xf32, #tpu.memory_space<hbm>>) offsets(%arg5 : memref<64xi32, #tpu.memory_space<vmem>>) semaphore(%arg7 : memref<!tpu.dma_semaphore, #tpu.memory_space<semaphore_mem>>)
    %dma_wait3A = arith.constant 0 : i32
    %dma_wait3A_5 = arith.constant 0 : i32
    %dma_wait3A_6 = tpu.memref_slice %arg4[%dma_wait3A, %dma_wait3A_5] : memref<4096x1024xf32, #tpu.memory_space<hbm>> -> memref<4096x1024xf32, #tpu.memory_space<hbm>>
    tpu.wait_indirect_dma semaphore(%arg7 : memref<!tpu.dma_semaphore, #tpu.memory_space<semaphore_mem>>) src(%arg6 : memref<64x1024xf32, #tpu.memory_space<vmem>>) dst(%dma_wait3A_6 : memref<4096x1024xf32, #tpu.memory_space<hbm>>)
    return
  }
}

#map = affine_map<(d0, d1) -> (0, 0)>
#map1 = affine_map<(d0, d1) -> (0)>
module attributes {stable_mosaic.version = 14 : i64} {
  func.func @gather_k(%arg0: i32, %arg1: i32, %arg2: memref<4096x1024xf32, #tpu.memory_space<hbm>>, %arg3: memref<2048xi32, #tpu.memory_space<hbm>>, %arg4: memref<2048x1024xf32, #tpu.memory_space<hbm>>, %arg5: memref<64xi32, #tpu.memory_space<vmem>>, %arg6: memref<64x1024xf32, #tpu.memory_space<vmem>>, %arg7: memref<!tpu.dma_semaphore, #tpu.memory_space<semaphore_mem>>) attributes {dimension_semantics = [#tpu.dimension_semantics<core_parallel>, #tpu.dimension_semantics<subcore_parallel>], iteration_bounds = array<i64: 2, 16>, scalar_prefetch = 0 : i64, scratch_operands = 3 : i64, tpu.core_type = #tpu.core_type<sc_vector_subcore>, window_params = [{transform_indices = #map}, {transform_indices = #map1}, {transform_indices = #map}]} {
    %mul3A = arith.constant 2 : i32
    %mul3A_0 = arith.muli %arg1, %mul3A : i32
    %add3A = arith.addi %mul3A_0, %arg0 : i32
    %mul3A_1 = arith.constant 64 : i32
    %mul3A_2 = arith.muli %add3A, %mul3A_1 : i32
    "tpu.region"() ({
      %run_scoped3A = tpu.sem_alloc : memref<!tpu.dma_semaphore, #tpu.memory_space<semaphore_mem>>
      %dma_start3A_7 = tpu.memref_slice %arg3[%mul3A_2] : memref<2048xi32, #tpu.memory_space<hbm>> -> memref<64xi32, #tpu.memory_space<hbm>>
      %dma_start3A_8 = tpu.memref_slice %arg3[%mul3A_2] : memref<2048xi32, #tpu.memory_space<hbm>> -> memref<64xi32, #tpu.memory_space<hbm>>
      tpu.enqueue_dma source(%dma_start3A_8 : memref<64xi32, #tpu.memory_space<hbm>>) target(%arg5 : memref<64xi32, #tpu.memory_space<vmem>>) target_semaphore(%run_scoped3A : memref<!tpu.dma_semaphore, #tpu.memory_space<semaphore_mem>>)
      %dma_wait3A_9 = tpu.memref_slice %arg3[%mul3A_2] : memref<2048xi32, #tpu.memory_space<hbm>> -> memref<64xi32, #tpu.memory_space<hbm>>
      %dma_wait3A_10 = tpu.memref_slice %arg3[%mul3A_2] : memref<2048xi32, #tpu.memory_space<hbm>> -> memref<64xi32, #tpu.memory_space<hbm>>
      tpu.wait_dma2 semaphore(%run_scoped3A : memref<!tpu.dma_semaphore, #tpu.memory_space<semaphore_mem>>) src(%dma_wait3A_10 : memref<64xi32, #tpu.memory_space<hbm>>) dst(%arg5 : memref<64xi32, #tpu.memory_space<vmem>>)
      tpu.yield
    }) : () -> ()
    %dma_start3A = arith.constant 0 : i32
    %dma_start3A_3 = arith.constant 0 : i32
    %dma_start3A_4 = tpu.memref_slice %arg2[%dma_start3A, %dma_start3A_3] : memref<4096x1024xf32, #tpu.memory_space<hbm>> -> memref<4096x1024xf32, #tpu.memory_space<hbm>>
    tpu.enqueue_indirect_dma source(%dma_start3A_4 : memref<4096x1024xf32, #tpu.memory_space<hbm>>) target(%arg6 : memref<64x1024xf32, #tpu.memory_space<vmem>>) offsets(%arg5 : memref<64xi32, #tpu.memory_space<vmem>>) semaphore(%arg7 : memref<!tpu.dma_semaphore, #tpu.memory_space<semaphore_mem>>)
    %dma_wait3A = arith.constant 0 : i32
    %dma_wait3A_5 = arith.constant 0 : i32
    %dma_wait3A_6 = tpu.memref_slice %arg2[%dma_wait3A, %dma_wait3A_5] : memref<4096x1024xf32, #tpu.memory_space<hbm>> -> memref<4096x1024xf32, #tpu.memory_space<hbm>>
    tpu.wait_indirect_dma semaphore(%arg7 : memref<!tpu.dma_semaphore, #tpu.memory_space<semaphore_mem>>) src(%dma_wait3A_6 : memref<4096x1024xf32, #tpu.memory_space<hbm>>) dst(%arg6 : memref<64x1024xf32, #tpu.memory_space<vmem>>)
    "tpu.region"() ({
      %run_scoped3A = tpu.sem_alloc : memref<!tpu.dma_semaphore, #tpu.memory_space<semaphore_mem>>
      %dma_start3A_7 = arith.constant 0 : i32
      %dma_start3A_8 = tpu.memref_slice %arg4[%mul3A_2, %dma_start3A_7] : memref<2048x1024xf32, #tpu.memory_space<hbm>> -> memref<64x1024xf32, #tpu.memory_space<hbm>>
      %dma_start3A_9 = arith.constant 0 : i32
      %dma_start3A_10 = tpu.memref_slice %arg4[%mul3A_2, %dma_start3A_9] : memref<2048x1024xf32, #tpu.memory_space<hbm>> -> memref<64x1024xf32, #tpu.memory_space<hbm>>
      tpu.enqueue_dma source(%arg6 : memref<64x1024xf32, #tpu.memory_space<vmem>>) target(%dma_start3A_10 : memref<64x1024xf32, #tpu.memory_space<hbm>>) target_semaphore(%run_scoped3A : memref<!tpu.dma_semaphore, #tpu.memory_space<semaphore_mem>>)
      %dma_wait3A_11 = arith.constant 0 : i32
      %dma_wait3A_12 = tpu.memref_slice %arg4[%mul3A_2, %dma_wait3A_11] : memref<2048x1024xf32, #tpu.memory_space<hbm>> -> memref<64x1024xf32, #tpu.memory_space<hbm>>
      %dma_wait3A_13 = arith.constant 0 : i32
      %dma_wait3A_14 = tpu.memref_slice %arg4[%mul3A_2, %dma_wait3A_13] : memref<2048x1024xf32, #tpu.memory_space<hbm>> -> memref<64x1024xf32, #tpu.memory_space<hbm>>
      tpu.wait_dma2 semaphore(%run_scoped3A : memref<!tpu.dma_semaphore, #tpu.memory_space<semaphore_mem>>) src(%arg6 : memref<64x1024xf32, #tpu.memory_space<vmem>>) dst(%dma_wait3A_14 : memref<64x1024xf32, #tpu.memory_space<hbm>>)
      tpu.yield
    }) : () -> ()
    return
  }
}

module attributes {stable_mosaic.version = 14 : i64} {
  func.func @_mm_body(%arg0: i32, %arg1: memref<64xi32, #tpu.memory_space<smem>>, %arg2: memref<256x1024xf32, #tpu.memory_space<vmem>>, %arg3: memref<1x1024x1024xf32, #tpu.memory_space<vmem>>, %arg4: memref<1x1x1024xf32, #tpu.memory_space<vmem>>, %arg5: memref<256x1024xf32, #tpu.memory_space<vmem>>) attributes {dimension_semantics = [#tpu.dimension_semantics<parallel>], iteration_bounds = array<i64: 16>, scalar_prefetch = 1 : i64, scratch_operands = 0 : i64, tpu.core_type = #tpu.core_type<tc>, window_params = [{transform_indices = @transform_0, window_bounds = array<i64: 256, 1024>}, {transform_indices = @transform_1, window_bounds = array<i64: 1, 1024, 1024>}, {transform_indices = @transform_2, window_bounds = array<i64: 1, 1, 1024>}, {transform_indices = @transform_3, window_bounds = array<i64: 256, 1024>}]} {
    %get3A = arith.constant 48 : index
    %get3A_0 = memref.load %arg1[%get3A] : memref<64xi32, #tpu.memory_space<smem>>
    %lt3A = arith.cmpi slt, %arg0, %get3A_0 : i32
    %convert_element_type3A = arith.extui %lt3A : i1 to i32
    %cond3A = arith.constant 0 : i32
    %cond3A_1 = arith.cmpi ne, %convert_element_type3A, %cond3A : i32
    scf.if %cond3A_1 {
      %get3A_2 = arith.constant 0 : index
      %get3A_3 = arith.constant 0 : index
      %get3A_4 = vector.load %arg2[%get3A_2, %get3A_3] : memref<256x1024xf32, #tpu.memory_space<vmem>>, vector<256x1024xf32>
      %get3A_5 = arith.constant 0 : index
      %get3A_6 = arith.constant 0 : index
      %get3A_7 = arith.constant 0 : index
      %get3A_8 = vector.load %arg3[%get3A_5, %get3A_6, %get3A_7] : memref<1x1024x1024xf32, #tpu.memory_space<vmem>>, vector<1x1024x1024xf32>
      %get3A_9 = vector.shape_cast %get3A_8 : vector<1x1024x1024xf32> to vector<1024x1024xf32>
      %dot_general3A = arith.constant dense<0.000000e+00> : vector<256x1024xf32>
      %dot_general3A_10 = tpu.matmul %get3A_4, %get3A_9, %dot_general3A {dimension_numbers = #tpu.dot_dimension_numbers<[1], [1], [0], [0], [0, 0, 1, 0], [], []>, transpose_lhs_hint = false} : vector<256x1024xf32>, vector<1024x1024xf32>, vector<256x1024xf32> -> vector<256x1024xf32>
      %get3A_11 = arith.constant 0 : index
      %get3A_12 = arith.constant 0 : index
      %get3A_13 = arith.constant 0 : index
      %get3A_14 = vector.load %arg4[%get3A_11, %get3A_12, %get3A_13] : memref<1x1x1024xf32, #tpu.memory_space<vmem>>, vector<1x1x1024xf32>
      %get3A_15 = vector.shape_cast %get3A_14 : vector<1x1x1024xf32> to vector<1x1024xf32>
      %add3A = vector.broadcast %get3A_15 : vector<1x1024xf32> to vector<256x1024xf32>
      %add3A_16 = arith.addf %dot_general3A_10, %add3A : vector<256x1024xf32>
      %swap3A = arith.constant 0 : index
      %swap3A_17 = arith.constant 0 : index
      %swap3A_18 = vector.load %arg5[%swap3A, %swap3A_17] : memref<256x1024xf32, #tpu.memory_space<vmem>>, vector<256x1024xf32>
      tpu.vector_store %arg5[%swap3A, %swap3A_17], %add3A_16 {strides = array<i32>} : memref<256x1024xf32, #tpu.memory_space<vmem>>, vector<256x1024xf32>,
    } else {
    }
    return
  }
  func.func @transform_0(%arg0: i32, %arg1: memref<64xi32, #tpu.memory_space<smem>>) -> (i32, i32) {
    %add3A = arith.constant 16 : i32
    %add3A_0 = arith.addi %add3A, %arg0 : i32
    %get3A = arith.index_cast %add3A_0 : i32 to index
    %get3A_1 = memref.load %arg1[%get3A] : memref<64xi32, #tpu.memory_space<smem>>
    %c0_i32 = arith.constant 0 : i32
    %c0_i32_2 = arith.constant 0 : i32
    return %get3A_1, %c0_i32 : i32, i32
  }
  func.func @transform_1(%arg0: i32, %arg1: memref<64xi32, #tpu.memory_space<smem>>) -> (i32, i32, i32) {
    %get3A = arith.index_cast %arg0 : i32 to index
    %get3A_0 = memref.load %arg1[%get3A] : memref<64xi32, #tpu.memory_space<smem>>
    %c0_i32 = arith.constant 0 : i32
    %c0_i32_1 = arith.constant 0 : i32
    %c0_i32_2 = arith.constant 0 : i32
    return %get3A_0, %c0_i32, %c0_i32_1 : i32, i32, i32
  }
  func.func @transform_2(%arg0: i32, %arg1: memref<64xi32, #tpu.memory_space<smem>>) -> (i32, i32, i32) {
    %get3A = arith.index_cast %arg0 : i32 to index
    %get3A_0 = memref.load %arg1[%get3A] : memref<64xi32, #tpu.memory_space<smem>>
    %c0_i32 = arith.constant 0 : i32
    %c0_i32_1 = arith.constant 0 : i32
    %c0_i32_2 = arith.constant 0 : i32
    return %get3A_0, %c0_i32, %c0_i32_1 : i32, i32, i32
  }
  func.func @transform_3(%arg0: i32, %arg1: memref<64xi32, #tpu.memory_space<smem>>) -> (i32, i32) {
    %add3A = arith.constant 32 : i32
    %add3A_0 = arith.addi %add3A, %arg0 : i32
    %get3A = arith.index_cast %add3A_0 : i32 to index
    %get3A_1 = memref.load %arg1[%get3A] : memref<64xi32, #tpu.memory_space<smem>>
    %c0_i32 = arith.constant 0 : i32
    %c0_i32_2 = arith.constant 0 : i32
    return %get3A_1, %c0_i32 : i32, i32
  }
}

module attributes {stable_mosaic.version = 14 : i64} {
  func.func @_route_body(%arg0: memref<16x128xi32, #tpu.memory_space<vmem>>, %arg1: memref<16x128xi32, #tpu.memory_space<vmem>>, %arg2: memref<1x64xi32, #tpu.memory_space<vmem>>) attributes {dimension_semantics = [], scalar_prefetch = 0 : i64, scratch_operands = 0 : i64, tpu.core_type = #tpu.core_type<tc>} {
    %get3A = arith.constant 0 : index
    %get3A_0 = arith.constant 0 : index
    %get3A_1 = vector.load %arg0[%get3A, %get3A_0] : memref<16x128xi32, #tpu.memory_space<vmem>>, vector<16x128xi32>
    %concatenate3A = tpu.concatenate %get3A_1, %get3A_1, %get3A_1, %get3A_1, %get3A_1, %get3A_1, %get3A_1, %get3A_1 in 0 : vector<16x128xi32>, vector<16x128xi32>, vector<16x128xi32>, vector<16x128xi32>, vector<16x128xi32>, vector<16x128xi32>, vector<16x128xi32>, vector<16x128xi32> -> vector<128x128xi32>
    %iota3A = tpu.iota {dimensions = array<i32: 0>} : vector<128x128xi32>
    %iota3A_2 = tpu.iota {dimensions = array<i32: 1>} : vector<128x128xi32>
    %jit3A = arith.constant 16 : i32
    %div3A = vector.broadcast %jit3A : i32 to vector<128x128xi32>
    %div3A_3 = arith.divsi %iota3A, %div3A : vector<128x128xi32>
    %sign3A = arith.constant 0 : i32
    %sign3A_4 = vector.broadcast %sign3A : i32 to vector<128x128xi32>
    %sign3A_5 = arith.cmpi sgt, %iota3A, %sign3A_4 : vector<128x128xi32>
    %sign3A_6 = arith.extui %sign3A_5 : vector<128x128xi1> to vector<128x128xi32>
    %sign3A_7 = arith.constant 0 : i32
    %sign3A_8 = vector.broadcast %sign3A_7 : i32 to vector<128x128xi32>
    %sign3A_9 = arith.cmpi slt, %iota3A, %sign3A_8 : vector<128x128xi32>
    %sign3A_10 = arith.extui %sign3A_9 : vector<128x128xi1> to vector<128x128xi32>
    %sign3A_11 = arith.subi %sign3A_6, %sign3A_10 : vector<128x128xi32>
    %sign3A_12 = arith.constant 0 : i32
    %sign3A_13 = arith.cmpi sgt, %jit3A, %sign3A_12 : i32
    %sign3A_14 = arith.extui %sign3A_13 : i1 to i32
    %sign3A_15 = arith.constant 0 : i32
    %sign3A_16 = arith.cmpi slt, %jit3A, %sign3A_15 : i32
    %sign3A_17 = arith.extui %sign3A_16 : i1 to i32
    %sign3A_18 = arith.subi %sign3A_14, %sign3A_17 : i32
    %ne3A = vector.broadcast %sign3A_18 : i32 to vector<128x128xi32>
    %ne3A_19 = arith.cmpi ne, %sign3A_11, %ne3A : vector<128x128xi32>
    %rem3A = vector.broadcast %jit3A : i32 to vector<128x128xi32>
    %rem3A_20 = arith.remsi %iota3A, %rem3A : vector<128x128xi32>
    %ne3A_21 = arith.constant 0 : i32
    %ne3A_22 = vector.broadcast %ne3A_21 : i32 to vector<128x128xi32>
    %ne3A_23 = arith.cmpi ne, %rem3A_20, %ne3A_22 : vector<128x128xi32>
    %and3A = arith.andi %ne3A_19, %ne3A_23 : vector<128x128xi1>
    %sub3A = arith.constant 1 : i32
    %sub3A_24 = vector.broadcast %sub3A : i32 to vector<128x128xi32>
    %sub3A_25 = arith.subi %div3A_3, %sub3A_24 : vector<128x128xi32>
    %select_n3A = arith.select %and3A, %sub3A_25, %div3A_3 : vector<128x128xi1>, vector<128x128xi32>
    %jit3A_26 = arith.constant 16 : i32
    %eq3A = arith.constant 0 : i32
    %eq3A_27 = arith.cmpi eq, %jit3A_26, %eq3A : i32
    %jit3A_28 = arith.constant 1 : i32
    %select_n3A_29 = arith.select %eq3A_27, %jit3A_28, %jit3A_26 : i32
    %rem3A_30 = vector.broadcast %select_n3A_29 : i32 to vector<128x128xi32>
    %rem3A_31 = arith.remsi %iota3A, %rem3A_30 : vector<128x128xi32>
    %ne3A_32 = arith.constant 0 : i32
    %ne3A_33 = vector.broadcast %ne3A_32 : i32 to vector<128x128xi32>
    %ne3A_34 = arith.cmpi ne, %rem3A_31, %ne3A_33 : vector<128x128xi32>
    %lt3A = arith.constant 0 : i32
    %lt3A_35 = vector.broadcast %lt3A : i32 to vector<128x128xi32>
    %lt3A_36 = arith.cmpi slt, %rem3A_31, %lt3A_35 : vector<128x128xi32>
    %lt3A_37 = arith.constant 0 : i32
    %lt3A_38 = arith.cmpi slt, %select_n3A_29, %lt3A_37 : i32
    %ne3A_39 = vector.broadcast %lt3A_38 : i1 to vector<128x128xi1>
    %ne3A_40 = vector.broadcast %ne3A_39 : vector<128x128xi1> to vector<128x128xi1>
    %ne3A_41 = arith.xori %lt3A_36, %ne3A_40 : vector<128x128xi1>
    %and3A_42 = arith.andi %ne3A_41, %ne3A_34 : vector<128x128xi1>
    %add3A = vector.broadcast %select_n3A_29 : i32 to vector<128x128xi32>
    %add3A_43 = arith.addi %rem3A_31, %add3A : vector<128x128xi32>
    %select_n3A_44 = arith.select %and3A_42, %add3A_43, %rem3A_31 : vector<128x128xi1>, vector<128x128xi32>
    %jit3A_45 = arith.constant 16 : i32
    %div3A_46 = vector.broadcast %jit3A_45 : i32 to vector<128x128xi32>
    %div3A_47 = arith.divsi %iota3A_2, %div3A_46 : vector<128x128xi32>
    %sign3A_48 = arith.constant 0 : i32
    %sign3A_49 = vector.broadcast %sign3A_48 : i32 to vector<128x128xi32>
    %sign3A_50 = arith.cmpi sgt, %iota3A_2, %sign3A_49 : vector<128x128xi32>
    %sign3A_51 = arith.extui %sign3A_50 : vector<128x128xi1> to vector<128x128xi32>
    %sign3A_52 = arith.constant 0 : i32
    %sign3A_53 = vector.broadcast %sign3A_52 : i32 to vector<128x128xi32>
    %sign3A_54 = arith.cmpi slt, %iota3A_2, %sign3A_53 : vector<128x128xi32>
    %sign3A_55 = arith.extui %sign3A_54 : vector<128x128xi1> to vector<128x128xi32>
    %sign3A_56 = arith.subi %sign3A_51, %sign3A_55 : vector<128x128xi32>
    %sign3A_57 = arith.constant 0 : i32
    %sign3A_58 = arith.cmpi sgt, %jit3A_45, %sign3A_57 : i32
    %sign3A_59 = arith.extui %sign3A_58 : i1 to i32
    %sign3A_60 = arith.constant 0 : i32
    %sign3A_61 = arith.cmpi slt, %jit3A_45, %sign3A_60 : i32
    %sign3A_62 = arith.extui %sign3A_61 : i1 to i32
    %sign3A_63 = arith.subi %sign3A_59, %sign3A_62 : i32
    %ne3A_64 = vector.broadcast %sign3A_63 : i32 to vector<128x128xi32>
    %ne3A_65 = arith.cmpi ne, %sign3A_56, %ne3A_64 : vector<128x128xi32>
    %rem3A_66 = vector.broadcast %jit3A_45 : i32 to vector<128x128xi32>
    %rem3A_67 = arith.remsi %iota3A_2, %rem3A_66 : vector<128x128xi32>
    %ne3A_68 = arith.constant 0 : i32
    %ne3A_69 = vector.broadcast %ne3A_68 : i32 to vector<128x128xi32>
    %ne3A_70 = arith.cmpi ne, %rem3A_67, %ne3A_69 : vector<128x128xi32>
    %and3A_71 = arith.andi %ne3A_65, %ne3A_70 : vector<128x128xi1>
    %sub3A_72 = arith.constant 1 : i32
    %sub3A_73 = vector.broadcast %sub3A_72 : i32 to vector<128x128xi32>
    %sub3A_74 = arith.subi %div3A_47, %sub3A_73 : vector<128x128xi32>
    %select_n3A_75 = arith.select %and3A_71, %sub3A_74, %div3A_47 : vector<128x128xi1>, vector<128x128xi32>
    %jit3A_76 = arith.constant 16 : i32
    %eq3A_77 = arith.constant 0 : i32
    %eq3A_78 = arith.cmpi eq, %jit3A_76, %eq3A_77 : i32
    %jit3A_79 = arith.constant 1 : i32
    %select_n3A_80 = arith.select %eq3A_78, %jit3A_79, %jit3A_76 : i32
    %rem3A_81 = vector.broadcast %select_n3A_80 : i32 to vector<128x128xi32>
    %rem3A_82 = arith.remsi %iota3A_2, %rem3A_81 : vector<128x128xi32>
    %ne3A_83 = arith.constant 0 : i32
    %ne3A_84 = vector.broadcast %ne3A_83 : i32 to vector<128x128xi32>
    %ne3A_85 = arith.cmpi ne, %rem3A_82, %ne3A_84 : vector<128x128xi32>
    %lt3A_86 = arith.constant 0 : i32
    %lt3A_87 = vector.broadcast %lt3A_86 : i32 to vector<128x128xi32>
    %lt3A_88 = arith.cmpi slt, %rem3A_82, %lt3A_87 : vector<128x128xi32>
    %lt3A_89 = arith.constant 0 : i32
    %lt3A_90 = arith.cmpi slt, %select_n3A_80, %lt3A_89 : i32
    %ne3A_91 = vector.broadcast %lt3A_90 : i1 to vector<128x128xi1>
    %ne3A_92 = vector.broadcast %ne3A_91 : vector<128x128xi1> to vector<128x128xi1>
    %ne3A_93 = arith.xori %lt3A_88, %ne3A_92 : vector<128x128xi1>
    %and3A_94 = arith.andi %ne3A_93, %ne3A_85 : vector<128x128xi1>
    %add3A_95 = vector.broadcast %select_n3A_80 : i32 to vector<128x128xi32>
    %add3A_96 = arith.addi %rem3A_82, %add3A_95 : vector<128x128xi32>
    %select_n3A_97 = arith.select %and3A_94, %add3A_96, %rem3A_82 : vector<128x128xi1>, vector<128x128xi32>
    %eq3A_98 = arith.cmpi eq, %concatenate3A, %select_n3A : vector<128x128xi32>
    %convert_element_type3A = arith.extui %eq3A_98 : vector<128x128xi1> to vector<128x128xi32>
    %convert_element_type3A_99 = arith.sitofp %convert_element_type3A : vector<128x128xi32> to vector<128x128xf32>
    %le3A = arith.cmpi sle, %iota3A, %iota3A_2 : vector<128x128xi32>
    %convert_element_type3A_100 = arith.extui %le3A : vector<128x128xi1> to vector<128x128xi32>
    %convert_element_type3A_101 = arith.sitofp %convert_element_type3A_100 : vector<128x128xi32> to vector<128x128xf32>
    %dot_general3A = arith.constant dense<0.000000e+00> : vector<128x128xf32>
    %dot_general3A_102 = tpu.matmul %convert_element_type3A_99, %convert_element_type3A_101, %dot_general3A {dimension_numbers = #tpu.dot_dimension_numbers<[1], [0], [0], [1], [0, 0, 1, 1], [], []>, transpose_lhs_hint = false} : vector<128x128xf32>, vector<128x128xf32>, vector<128x128xf32> -> vector<128x128xf32>
    %slice3A = vector.extract_strided_slice %dot_general3A_102 {offsets = [0, 127], sizes = [128, 1], strides = [1, 1]} : vector<128x128xf32> to vector<128x1xf32>
    %squeeze3A = vector.shape_cast %slice3A : vector<128x1xf32> to vector<128xf32>
    %reshape3A = vector.shape_cast %squeeze3A : vector<128xf32> to vector<1x128xf32>
    %eq3A_103 = arith.cmpi eq, %select_n3A, %select_n3A_75 : vector<128x128xi32>
    %lt3A_104 = arith.cmpi slt, %select_n3A_97, %select_n3A_44 : vector<128x128xi32>
    %and3A_105 = arith.andi %eq3A_103, %lt3A_104 : vector<128x128xi1>
    %convert_element_type3A_106 = arith.extui %and3A_105 : vector<128x128xi1> to vector<128x128xi32>
    %convert_element_type3A_107 = arith.sitofp %convert_element_type3A_106 : vector<128x128xi32> to vector<128x128xf32>
    %mul3A = vector.broadcast %reshape3A : vector<1x128xf32> to vector<128x128xf32>
    %mul3A_108 = arith.mulf %convert_element_type3A_107, %mul3A : vector<128x128xf32>
    %reduce_sum3A = arith.constant dense<0.000000e+00> : vector<128xf32>
    %reduce_sum3A_109 = vector.multi_reduction <add>, %mul3A_108, %reduce_sum3A [1] : vector<128x128xf32> to vector<128xf32>
    %broadcast_in_dim3A = vector.shape_cast %reduce_sum3A_109 : vector<128xf32> to vector<128x1xf32>
    %add3A_110 = vector.broadcast %broadcast_in_dim3A : vector<128x1xf32> to vector<128x128xf32>
    %add3A_111 = arith.addf %dot_general3A_102, %add3A_110 : vector<128x128xf32>
    %eq3A_112 = arith.cmpi eq, %select_n3A, %select_n3A_75 : vector<128x128xi32>
    %convert_element_type3A_113 = arith.extui %eq3A_112 : vector<128x128xi1> to vector<128x128xi32>
    %convert_element_type3A_114 = arith.sitofp %convert_element_type3A_113 : vector<128x128xi32> to vector<128x128xf32>
    %mul3A_115 = vector.broadcast %reshape3A : vector<1x128xf32> to vector<128x128xf32>
    %mul3A_116 = arith.mulf %convert_element_type3A_114, %mul3A_115 : vector<128x128xf32>
    %reduce_sum3A_117 = arith.constant dense<0.000000e+00> : vector<128xf32>
    %reduce_sum3A_118 = vector.multi_reduction <add>, %mul3A_116, %reduce_sum3A_117 [1] : vector<128x128xf32> to vector<128xf32>
    %broadcast_in_dim3A_119 = vector.shape_cast %reduce_sum3A_118 : vector<128xf32> to vector<128x1xf32>
    %add3A_120 = arith.constant 5.000000e-01 : f32
    %add3A_121 = vector.broadcast %add3A_120 : f32 to vector<128x1xf32>
    %add3A_122 = arith.addf %broadcast_in_dim3A_119, %add3A_121 : vector<128x1xf32>
    %convert_element_type3A_123 = arith.fptosi %add3A_122 : vector<128x1xf32> to vector<128x1xi32>
    %add3A_124 = arith.constant 256 : i32
    %add3A_125 = vector.broadcast %add3A_124 : i32 to vector<128x1xi32>
    %add3A_126 = arith.addi %convert_element_type3A_123, %add3A_125 : vector<128x1xi32>
    %sub3A_127 = arith.constant 1 : i32
    %sub3A_128 = vector.broadcast %sub3A_127 : i32 to vector<128x1xi32>
    %sub3A_129 = arith.subi %add3A_126, %sub3A_128 : vector<128x1xi32>
    %jit3A_130 = arith.constant 256 : i32
    %div3A_131 = vector.broadcast %jit3A_130 : i32 to vector<128x1xi32>
    %div3A_132 = arith.divsi %sub3A_129, %div3A_131 : vector<128x1xi32>
    %sign3A_133 = arith.constant 0 : i32
    %sign3A_134 = vector.broadcast %sign3A_133 : i32 to vector<128x1xi32>
    %sign3A_135 = arith.cmpi sgt, %sub3A_129, %sign3A_134 : vector<128x1xi32>
    %sign3A_136 = arith.extui %sign3A_135 : vector<128x1xi1> to vector<128x1xi32>
    %sign3A_137 = arith.constant 0 : i32
    %sign3A_138 = vector.broadcast %sign3A_137 : i32 to vector<128x1xi32>
    %sign3A_139 = arith.cmpi slt, %sub3A_129, %sign3A_138 : vector<128x1xi32>
    %sign3A_140 = arith.extui %sign3A_139 : vector<128x1xi1> to vector<128x1xi32>
    %sign3A_141 = arith.subi %sign3A_136, %sign3A_140 : vector<128x1xi32>
    %sign3A_142 = arith.constant 0 : i32
    %sign3A_143 = arith.cmpi sgt, %jit3A_130, %sign3A_142 : i32
    %sign3A_144 = arith.extui %sign3A_143 : i1 to i32
    %sign3A_145 = arith.constant 0 : i32
    %sign3A_146 = arith.cmpi slt, %jit3A_130, %sign3A_145 : i32
    %sign3A_147 = arith.extui %sign3A_146 : i1 to i32
    %sign3A_148 = arith.subi %sign3A_144, %sign3A_147 : i32
    %ne3A_149 = vector.broadcast %sign3A_148 : i32 to vector<128x1xi32>
    %ne3A_150 = arith.cmpi ne, %sign3A_141, %ne3A_149 : vector<128x1xi32>
    %rem3A_151 = vector.broadcast %jit3A_130 : i32 to vector<128x1xi32>
    %rem3A_152 = arith.remsi %sub3A_129, %rem3A_151 : vector<128x1xi32>
    %ne3A_153 = arith.constant 0 : i32
    %ne3A_154 = vector.broadcast %ne3A_153 : i32 to vector<128x1xi32>
    %ne3A_155 = arith.cmpi ne, %rem3A_152, %ne3A_154 : vector<128x1xi32>
    %and3A_156 = arith.andi %ne3A_150, %ne3A_155 : vector<128x1xi1>
    %sub3A_157 = arith.constant 1 : i32
    %sub3A_158 = vector.broadcast %sub3A_157 : i32 to vector<128x1xi32>
    %sub3A_159 = arith.subi %div3A_132, %sub3A_158 : vector<128x1xi32>
    %select_n3A_160 = arith.select %and3A_156, %sub3A_159, %div3A_132 : vector<128x1xi1>, vector<128x1xi32>
    %mul3A_161 = arith.constant 256 : i32
    %mul3A_162 = vector.broadcast %mul3A_161 : i32 to vector<128x1xi32>
    %mul3A_163 = arith.muli %select_n3A_160, %mul3A_162 : vector<128x1xi32>
    %convert_element_type3A_164 = arith.sitofp %mul3A_163 : vector<128x1xi32> to vector<128x1xf32>
    %lt3A_165 = arith.cmpi slt, %select_n3A_75, %select_n3A : vector<128x128xi32>
    %eq3A_166 = arith.constant 0 : i32
    %eq3A_167 = vector.broadcast %eq3A_166 : i32 to vector<128x128xi32>
    %eq3A_168 = arith.cmpi eq, %select_n3A_97, %eq3A_167 : vector<128x128xi32>
    %and3A_169 = arith.andi %lt3A_165, %eq3A_168 : vector<128x128xi1>
    %convert_element_type3A_170 = arith.extui %and3A_169 : vector<128x128xi1> to vector<128x128xi32>
    %convert_element_type3A_171 = arith.sitofp %convert_element_type3A_170 : vector<128x128xi32> to vector<128x128xf32>
    %reshape3A_172 = vector.shape_cast %convert_element_type3A_164 : vector<128x1xf32> to vector<1x128xf32>
    %mul3A_173 = vector.broadcast %reshape3A_172 : vector<1x128xf32> to vector<128x128xf32>
    %mul3A_174 = arith.mulf %convert_element_type3A_171, %mul3A_173 : vector<128x128xf32>
    %reduce_sum3A_175 = arith.constant dense<0.000000e+00> : vector<128xf32>
    %reduce_sum3A_176 = vector.multi_reduction <add>, %mul3A_174, %reduce_sum3A_175 [1] : vector<128x128xf32> to vector<128xf32>
    %broadcast_in_dim3A_177 = vector.shape_cast %reduce_sum3A_176 : vector<128xf32> to vector<128x1xf32>
    %sub3A_178 = arith.constant 1.000000e+00 : f32
    %sub3A_179 = vector.broadcast %sub3A_178 : f32 to vector<128x1xf32>
    %sub3A_180 = arith.subf %broadcast_in_dim3A_177, %sub3A_179 : vector<128x1xf32>
    %add3A_181 = vector.broadcast %sub3A_180 : vector<128x1xf32> to vector<128x128xf32>
    %add3A_182 = arith.addf %add3A_181, %add3A_111 : vector<128x128xf32>
    %mul3A_183 = arith.mulf %add3A_182, %convert_element_type3A_99 : vector<128x128xf32>
    %reshape3A_184 = vector.shape_cast %mul3A_183 : vector<128x128xf32> to vector<8x16x128xf32>
    %reduce_sum3A_185 = arith.constant dense<0.000000e+00> : vector<16x128xf32>
    %reduce_sum3A_186 = vector.multi_reduction <add>, %reshape3A_184, %reduce_sum3A_185 [0] : vector<8x16x128xf32> to vector<16x128xf32>
    %add3A_187 = arith.constant 5.000000e-01 : f32
    %add3A_188 = vector.broadcast %add3A_187 : f32 to vector<16x128xf32>
    %add3A_189 = arith.addf %reduce_sum3A_186, %add3A_188 : vector<16x128xf32>
    %convert_element_type3A_190 = arith.fptosi %add3A_189 : vector<16x128xf32> to vector<16x128xi32>
    %swap3A = arith.constant 0 : index
    %swap3A_191 = arith.constant 0 : index
    %swap3A_192 = vector.load %arg1[%swap3A, %swap3A_191] : memref<16x128xi32, #tpu.memory_space<vmem>>, vector<16x128xi32>
    tpu.vector_store %arg1[%swap3A, %swap3A_191], %convert_element_type3A_190 {strides = array<i32>} : memref<16x128xi32, #tpu.memory_space<vmem>>, vector<16x128xi32>,
    %iota3A_193 = tpu.iota {dimensions = array<i32: 0>} : vector<128x1xi32>
    %jit3A_194 = arith.constant 16 : i32
    %eq3A_195 = arith.constant 0 : i32
    %eq3A_196 = arith.cmpi eq, %jit3A_194, %eq3A_195 : i32
    %jit3A_197 = arith.constant 1 : i32
    %select_n3A_198 = arith.select %eq3A_196, %jit3A_197, %jit3A_194 : i32
    %rem3A_199 = vector.broadcast %select_n3A_198 : i32 to vector<128x1xi32>
    %rem3A_200 = arith.remsi %iota3A_193, %rem3A_199 : vector<128x1xi32>
    %ne3A_201 = arith.constant 0 : i32
    %ne3A_202 = vector.broadcast %ne3A_201 : i32 to vector<128x1xi32>
    %ne3A_203 = arith.cmpi ne, %rem3A_200, %ne3A_202 : vector<128x1xi32>
    %lt3A_204 = arith.constant 0 : i32
    %lt3A_205 = vector.broadcast %lt3A_204 : i32 to vector<128x1xi32>
    %lt3A_206 = arith.cmpi slt, %rem3A_200, %lt3A_205 : vector<128x1xi32>
    %lt3A_207 = arith.constant 0 : i32
    %lt3A_208 = arith.cmpi slt, %select_n3A_198, %lt3A_207 : i32
    %ne3A_209 = vector.broadcast %lt3A_208 : i1 to vector<128x1xi1>
    %ne3A_210 = vector.broadcast %ne3A_209 : vector<128x1xi1> to vector<128x1xi1>
    %ne3A_211 = arith.xori %lt3A_206, %ne3A_210 : vector<128x1xi1>
    %and3A_212 = arith.andi %ne3A_211, %ne3A_203 : vector<128x1xi1>
    %add3A_213 = vector.broadcast %select_n3A_198 : i32 to vector<128x1xi32>
    %add3A_214 = arith.addi %rem3A_200, %add3A_213 : vector<128x1xi32>
    %select_n3A_215 = arith.select %and3A_212, %add3A_214, %rem3A_200 : vector<128x1xi1>, vector<128x1xi32>
    %jit3A_216 = arith.constant 16 : i32
    %div3A_217 = vector.broadcast %jit3A_216 : i32 to vector<128x1xi32>
    %div3A_218 = arith.divsi %iota3A_193, %div3A_217 : vector<128x1xi32>
    %sign3A_219 = arith.constant 0 : i32
    %sign3A_220 = vector.broadcast %sign3A_219 : i32 to vector<128x1xi32>
    %sign3A_221 = arith.cmpi sgt, %iota3A_193, %sign3A_220 : vector<128x1xi32>
    %sign3A_222 = arith.extui %sign3A_221 : vector<128x1xi1> to vector<128x1xi32>
    %sign3A_223 = arith.constant 0 : i32
    %sign3A_224 = vector.broadcast %sign3A_223 : i32 to vector<128x1xi32>
    %sign3A_225 = arith.cmpi slt, %iota3A_193, %sign3A_224 : vector<128x1xi32>
    %sign3A_226 = arith.extui %sign3A_225 : vector<128x1xi1> to vector<128x1xi32>
    %sign3A_227 = arith.subi %sign3A_222, %sign3A_226 : vector<128x1xi32>
    %sign3A_228 = arith.constant 0 : i32
    %sign3A_229 = arith.cmpi sgt, %jit3A_216, %sign3A_228 : i32
    %sign3A_230 = arith.extui %sign3A_229 : i1 to i32
    %sign3A_231 = arith.constant 0 : i32
    %sign3A_232 = arith.cmpi slt, %jit3A_216, %sign3A_231 : i32
    %sign3A_233 = arith.extui %sign3A_232 : i1 to i32
    %sign3A_234 = arith.subi %sign3A_230, %sign3A_233 : i32
    %ne3A_235 = vector.broadcast %sign3A_234 : i32 to vector<128x1xi32>
    %ne3A_236 = arith.cmpi ne, %sign3A_227, %ne3A_235 : vector<128x1xi32>
    %rem3A_237 = vector.broadcast %jit3A_216 : i32 to vector<128x1xi32>
    %rem3A_238 = arith.remsi %iota3A_193, %rem3A_237 : vector<128x1xi32>
    %ne3A_239 = arith.constant 0 : i32
    %ne3A_240 = vector.broadcast %ne3A_239 : i32 to vector<128x1xi32>
    %ne3A_241 = arith.cmpi ne, %rem3A_238, %ne3A_240 : vector<128x1xi32>
    %and3A_242 = arith.andi %ne3A_236, %ne3A_241 : vector<128x1xi1>
    %sub3A_243 = arith.constant 1 : i32
    %sub3A_244 = vector.broadcast %sub3A_243 : i32 to vector<128x1xi32>
    %sub3A_245 = arith.subi %div3A_218, %sub3A_244 : vector<128x1xi32>
    %select_n3A_246 = arith.select %and3A_242, %sub3A_245, %div3A_218 : vector<128x1xi1>, vector<128x1xi32>
    %eq3A_247 = arith.constant 0 : i32
    %eq3A_248 = vector.broadcast %eq3A_247 : i32 to vector<128x1xi32>
    %eq3A_249 = arith.cmpi eq, %select_n3A_215, %eq3A_248 : vector<128x1xi32>
    %convert_element_type3A_250 = arith.extui %eq3A_249 : vector<128x1xi1> to vector<128x1xi32>
    %convert_element_type3A_251 = arith.sitofp %convert_element_type3A_250 : vector<128x1xi32> to vector<128x1xf32>
    %mul3A_252 = arith.mulf %convert_element_type3A_164, %convert_element_type3A_251 : vector<128x1xf32>
    %reduce_sum3A_253 = vector.shape_cast %mul3A_252 : vector<128x1xf32> to vector<1x128x1xf32>
    %reduce_sum3A_254 = arith.constant dense<0.000000e+00> : vector<1xf32>
    %reduce_sum3A_255 = vector.multi_reduction <add>, %reduce_sum3A_253, %reduce_sum3A_254 [1, 2] : vector<1x128x1xf32> to vector<1xf32>
    %reduce_sum3A_256 = vector.shape_cast %reduce_sum3A_255 : vector<1xf32> to vector<1x1x1xf32>
    %reduce_sum3A_257 = vector.extract %reduce_sum3A_256[0, 0, 0] : f32 from vector<1x1x1xf32>
    %convert_element_type3A_258 = arith.fptosi %reduce_sum3A_257 : f32 to i32
    %jit3A_259 = arith.constant 256 : i32
    %div3A_260 = arith.divsi %convert_element_type3A_258, %jit3A_259 : i32
    %sign3A_261 = arith.constant 0 : i32
    %sign3A_262 = arith.cmpi sgt, %convert_element_type3A_258, %sign3A_261 : i32
    %sign3A_263 = arith.extui %sign3A_262 : i1 to i32
    %sign3A_264 = arith.constant 0 : i32
    %sign3A_265 = arith.cmpi slt, %convert_element_type3A_258, %sign3A_264 : i32
    %sign3A_266 = arith.extui %sign3A_265 : i1 to i32
    %sign3A_267 = arith.subi %sign3A_263, %sign3A_266 : i32
    %sign3A_268 = arith.constant 0 : i32
    %sign3A_269 = arith.cmpi sgt, %jit3A_259, %sign3A_268 : i32
    %sign3A_270 = arith.extui %sign3A_269 : i1 to i32
    %sign3A_271 = arith.constant 0 : i32
    %sign3A_272 = arith.cmpi slt, %jit3A_259, %sign3A_271 : i32
    %sign3A_273 = arith.extui %sign3A_272 : i1 to i32
    %sign3A_274 = arith.subi %sign3A_270, %sign3A_273 : i32
    %ne3A_275 = arith.cmpi ne, %sign3A_267, %sign3A_274 : i32
    %rem3A_276 = arith.remsi %convert_element_type3A_258, %jit3A_259 : i32
    %ne3A_277 = arith.constant 0 : i32
    %ne3A_278 = arith.cmpi ne, %rem3A_276, %ne3A_277 : i32
    %and3A_279 = arith.andi %ne3A_275, %ne3A_278 : i1
    %sub3A_280 = arith.constant 1 : i32
    %sub3A_281 = arith.subi %div3A_260, %sub3A_280 : i32
    %select_n3A_282 = arith.select %and3A_279, %sub3A_281, %div3A_260 : i32
    %iota3A_283 = tpu.iota {dimensions = array<i32: 1>} : vector<1x16xi32>
    %mul3A_284 = arith.constant 256 : i32
    %mul3A_285 = vector.broadcast %mul3A_284 : i32 to vector<1x16xi32>
    %mul3A_286 = arith.muli %iota3A_283, %mul3A_285 : vector<1x16xi32>
    %convert_element_type3A_287 = arith.sitofp %mul3A_286 : vector<1x16xi32> to vector<1x16xf32>
    %eq3A_288 = arith.constant 0 : i32
    %eq3A_289 = vector.broadcast %eq3A_288 : i32 to vector<128x1xi32>
    %eq3A_290 = arith.cmpi eq, %select_n3A_215, %eq3A_289 : vector<128x1xi32>
    %ge3A = arith.constant 1 : i32
    %ge3A_291 = vector.broadcast %ge3A : i32 to vector<128x1xi32>
    %ge3A_292 = arith.cmpi sge, %select_n3A_246, %ge3A_291 : vector<128x1xi32>
    %and3A_293 = arith.andi %eq3A_290, %ge3A_292 : vector<128x1xi1>
    %convert_element_type3A_294 = arith.extui %and3A_293 : vector<128x1xi1> to vector<128x1xi32>
    %convert_element_type3A_295 = arith.sitofp %convert_element_type3A_294 : vector<128x1xi32> to vector<128x1xf32>
    %le3A_296 = vector.broadcast %broadcast_in_dim3A_177 : vector<128x1xf32> to vector<128x16xf32>
    %le3A_297 = vector.broadcast %convert_element_type3A_287 : vector<1x16xf32> to vector<128x16xf32>
    %le3A_298 = arith.cmpf ole, %le3A_296, %le3A_297 : vector<128x16xf32>
    %convert_element_type3A_299 = arith.extui %le3A_298 : vector<128x16xi1> to vector<128x16xi32>
    %convert_element_type3A_300 = arith.sitofp %convert_element_type3A_299 : vector<128x16xi32> to vector<128x16xf32>
    %mul3A_301 = vector.broadcast %convert_element_type3A_295 : vector<128x1xf32> to vector<128x16xf32>
    %mul3A_302 = arith.mulf %convert_element_type3A_300, %mul3A_301 : vector<128x16xf32>
    %reduce_sum3A_303 = arith.constant dense<0.000000e+00> : vector<16xf32>
    %reduce_sum3A_304 = vector.multi_reduction <add>, %mul3A_302, %reduce_sum3A_303 [0] : vector<128x16xf32> to vector<16xf32>
    %broadcast_in_dim3A_305 = vector.shape_cast %reduce_sum3A_304 : vector<16xf32> to vector<1x16xf32>
    %convert_element_type3A_306 = arith.fptosi %broadcast_in_dim3A_305 : vector<1x16xf32> to vector<1x16xi32>
    %sub3A_307 = arith.constant 1 : i32
    %sub3A_308 = arith.subi %select_n3A_282, %sub3A_307 : i32
    %max3A = arith.constant 0 : i32
    %max3A_309 = arith.maxsi %sub3A_308, %max3A : i32
    %eq3A_310 = vector.broadcast %max3A_309 : i32 to vector<1x16xi32>
    %eq3A_311 = arith.cmpi eq, %iota3A_283, %eq3A_310 : vector<1x16xi32>
    %convert_element_type3A_312 = arith.extui %eq3A_311 : vector<1x16xi1> to vector<1x16xi32>
    %mul3A_313 = arith.muli %convert_element_type3A_306, %convert_element_type3A_312 : vector<1x16xi32>
    %reduce_sum3A_314 = vector.shape_cast %mul3A_313 : vector<1x16xi32> to vector<1x1x16xi32>
    %reduce_sum3A_315 = arith.constant dense<0> : vector<1xi32>
    %reduce_sum3A_316 = vector.multi_reduction <add>, %reduce_sum3A_314, %reduce_sum3A_315 [1, 2] : vector<1x1x16xi32> to vector<1xi32>
    %reduce_sum3A_317 = vector.shape_cast %reduce_sum3A_316 : vector<1xi32> to vector<1x1x1xi32>
    %reduce_sum3A_318 = vector.extract %reduce_sum3A_317[0, 0, 0] : i32 from vector<1x1x1xi32>
    %mul3A_319 = arith.constant 256 : i32
    %mul3A_320 = vector.broadcast %mul3A_319 : i32 to vector<1x16xi32>
    %mul3A_321 = arith.muli %iota3A_283, %mul3A_320 : vector<1x16xi32>
    %convert_element_type3A_322 = arith.fptosi %reduce_sum3A_257 : f32 to i32
    %lt3A_323 = vector.broadcast %convert_element_type3A_322 : i32 to vector<1x16xi32>
    %lt3A_324 = arith.cmpi slt, %mul3A_321, %lt3A_323 : vector<1x16xi32>
    %broadcast_in_dim3A_325 = vector.broadcast %reduce_sum3A_318 : i32 to vector<1x16xi32>
    %select_n3A_326 = arith.select %lt3A_324, %convert_element_type3A_306, %broadcast_in_dim3A_325 : vector<1x16xi1>, vector<1x16xi32>
    %broadcast_in_dim3A_327 = vector.broadcast %max3A_309 : i32 to vector<1x16xi32>
    %select_n3A_328 = arith.select %lt3A_324, %iota3A_283, %broadcast_in_dim3A_327 : vector<1x16xi1>, vector<1x16xi32>
    %jit3A_329 = arith.constant 15 : i32
    %broadcast_in_dim3A_330 = vector.broadcast %jit3A_329 : i32 to vector<1x16xi32>
    %select_n3A_331 = arith.select %lt3A_324, %iota3A_283, %broadcast_in_dim3A_330 : vector<1x16xi1>, vector<1x16xi32>
    %broadcast_in_dim3A_332 = vector.broadcast %select_n3A_282 : i32 to vector<1x16xi32>
    %concatenate3A_333 = tpu.concatenate %select_n3A_326, %select_n3A_328, %select_n3A_331, %broadcast_in_dim3A_332 in 1 : vector<1x16xi32>, vector<1x16xi32>, vector<1x16xi32>, vector<1x16xi32> -> vector<1x64xi32>
    %swap3A_334 = arith.constant 0 : index
    %swap3A_335 = arith.constant 0 : index
    %swap3A_336 = vector.load %arg2[%swap3A_334, %swap3A_335] : memref<1x64xi32, #tpu.memory_space<vmem>>, vector<1x64xi32>
    tpu.vector_store %arg2[%swap3A_334, %swap3A_335], %concatenate3A_333 {strides = array<i32>} : memref<1x64xi32, #tpu.memory_space<vmem>>, vector<1x64xi32>,
    return
  }
}

</mosaic_0001>

<sc_bundles>
// kernel: kernel.6.cloned.1.call-start
scs
__scs_entry_jumppad:
0x0: {  	(pc) =	sbr.rel $0x88, $3  }
0x1: {  	(tag) =	ssettag $0x0;
	lr =	simm.s32 $0x1  }
0x2: {  	[smem:$0x3F9D] =	sst lr;
	_ =	strace $0xD0000000  }
0x3: {  	_ = 	snop  }
0x4: {  	_ = 	snop  }
0x5: {  	_ = 	snop  }
0x6: {  	_ = 	snop  }
0x7: {  	_ = 	snop  }
__scs_overlays_trampoline_lowered:
0x8: {  	[smem:$0x3FAC] =	sst s0  }
0x9: {  	[smem:$0x3FAD] =	sst s1  }
0xa: {  	[smem:$0x3FAE] =	sst s2  }
0xb: {  	[smem:$0x3FAF] =	sst s3  }
0xc: {  	[smem:$0x3FB0] =	sst s4  }
0xd: {  	[smem:$0x3FB1] =	sst s5  }
0xe: {  	[smem:$0x3FB2] =	sst s6  }
0xf: {  	[smem:$0x3FB3] =	sst s7  }
0x10: {  	[smem:$0x3FB4] =	sst s8  }
0x11: {  	[smem:$0x3FB5] =	sst s9;
	s0 =	simm.s32 @!p0 $0x0  }
0x12: {  	s1 =	sld [smem:$0x3F9B];
	s0 =	simm.s32 @p0 $0x1  }
0x13: {  	[smem:$0x3FB6] =	sst s0;
	s0 =	simm.s32 @!p1 $0x0  }
0x14: {  	s2 =	sld [smem:$0x3F9A];
	s0 =	simm.s32 @p1 $0x1  }
0x15: {  	[smem:$0x3FB7] =	sst s0;
	s0 =	simm.s32 @!p2 $0x0  }
0x16: {  	s3 =	sld [smem:$0x3FDB];
	s0 =	simm.s32 @p2 $0x1  }
0x17: {  	s4 =	simm.s32 $0x1BF5;
	[smem:$0x3FB9] =	sst s0  }
0x18: {  	s0 =	sld [smem:$0x3F9C];
	_ =	swait.ge [sflag:s4], $0x0  }
0x19: {  	s7 =	sld [smem:$0x3F9D]  }
0x1a: {  	s8 =	sadd.s32 $0xFFFFE003, lr  }
0x1b: {  	s9 =	sadd.s32 $0xFFFFFEF7, lr;
	s5 =	simm.s32 $0xFFFFFFFF;
	p2 =	slt.u32 s8, $0xFFFFF086  }
0x1c: {  	p1 =	slt.u32 s9, $0xF7A;
	s5 =	simm.s32 @!p2 $0x0  }
0x1d: {  	s5 =	simm.s32 @p1 $0x1;
	p0 =	seq.s32 s7, s2  }
0x1e: {  	s7 =	smul.u32 @!p0 $0xF7A, s2;
	p2 =	seq.s32 @!p0 s5, $0x0  }
0x1f: {  	s9 =	smul.u32 $0xF7A, s1;
	s8 =	simm.s32 @!p0 $0x1BF5;
	p2 =	por !p2, p0  }
0x20: {  	[sflag:s8] =	ssyncset.s32 @!p0 $0xFFFFF086;
	s6 =	sadd.s32 @!p0 s3, s7;
	s7 =	simm.s32 @!p0 $0x108  }
0x21: {  	s3 =	sadd.s32 s3, s9;
	s6 =	sadd.s32 @!p0 $0x88, s6;
	s7 =	simm.s32 @p2 $0x1082  }
0x22: {  	[simem:s7], [sflag:s8] =	dma.local @!p0 [hbm:s6], $0xF7A  }
0x23: {  	s9 =	sor.u32 $0xD0000000, s2;
	s6 =	simm.s32 $0x108;
	_ =	swait.ge @!p0 [sflag:s8], $0x0  }
0x24: {  	s3 =	sadd.s32 $0x88, s3;
	s6 =	simm.s32 @!p1 $0x1082;
	[sflag:s4] =	ssyncset.s32 $0xFFFFF086  }
0x25: {  	[simem:s6], [sflag:s4] =	dma.local [hbm:s3], $0xF7A  }
0x26: {  	[smem:$0x3F9D] =	sst s1;
	(tag) =	ssettag s2;
	_ =	strace s9  }
0x27: {  	s1 =	sld [smem:$0x3FAD]  }
0x28: {  	s2 =	sld [smem:$0x3FAE]  }
0x29: {  	s4 =	sld [smem:$0x3FB0]  }
0x2a: {  	p0 =	seq.s32 s5, $0x0;
	s5 =	sld [smem:$0x3FB1]  }
0x2b: {  	s6 =	sld [smem:$0x3FB2]  }
0x2c: {  	s7 =	sld [smem:$0x3FB3]  }
0x2d: {  	s3 =	simm.s32 $0x108;
	s8 =	sld [smem:$0x3FB4]  }
0x2e: {  	s3 =	simm.s32 @!p0 $0x1082;
	s9 =	sld [smem:$0x3FB5]  }
0x2f: {  	lr =	sadd.s32 s0, s3;
	s0 =	sld [smem:$0x3FAC]  }
0x30: {  	s3 =	sld [smem:$0x3FAF]  }
0x31: {  	[smem:$0x3FB8] =	sst s10  }
0x32: {  	s10 =	sld [smem:$0x3FB6];
	_ =	sdelay $0x3  }
0x33: {  	p0 =	seq.s32 s10, $0x1;
	s10 =	sld [smem:$0x3FB8];
	_ =	sdelay $0x3  }
0x34: {  	[smem:$0x3FB8] =	sst s10  }
0x35: {  	s10 =	sld [smem:$0x3FB7];
	_ =	sdelay $0x3  }
0x36: {  	p1 =	seq.s32 s10, $0x1;
	s10 =	sld [smem:$0x3FB8];
	_ =	sdelay $0x3  }
0x37: {  	[smem:$0x3FB8] =	sst s10  }
0x38: {  	s10 =	sld [smem:$0x3FB9]  }
0x39: {  	_ = 	snop;
	(pc) =	sbr.ind lr, $3  }
0x3a: {  	_ = 	snop  }
0x3b: {  	_ = 	snop  }
0x3c: {  	p2 =	seq.s32 s10, $0x1;
	s10 =	sld [smem:$0x3FB8]  }
0x3d: {  	_ =	shalt  }
0x3e: {  	_ =	shalt  }
0x3f: {  	_ =	shalt  }
0x40: {  	_ =	shalt  }
0x41: {  	_ =	shalt  }
0x42: {  	_ =	shalt  }
0x43: {  	_ =	shalt  }
0x44: {  	_ =	shalt  }
0x45: {  	_ =	shalt  }
0x46: {  	_ =	shalt  }
0x47: {  	_ =	shalt  }
0x48: {  	_ =	shalt  }
0x49: {  	_ =	shalt  }
0x4a: {  	_ =	shalt  }
0x4b: {  	_ =	shalt  }
0x4c: {  	_ =	shalt  }
0x4d: {  	_ =	shalt  }
0x4e: {  	_ =	shalt  }
0x4f: {  	_ =	shalt  }
0x50: {  	_ =	shalt  }
0x51: {  	_ =	shalt  }
0x52: {  	_ =	shalt  }
0x53: {  	_ =	shalt  }
0x54: {  	_ =	shalt  }
0x55: {  	_ =	shalt  }
0x56: {  	_ =	shalt  }
0x57: {  	_ =	shalt  }
0x58: {  	_ =	shalt  }
0x59: {  	_ =	shalt  }
0x5a: {  	_ =	shalt  }
0x5b: {  	_ =	shalt  }
0x5c: {  	_ =	shalt  }
0x5d: {  	_ =	shalt  }
0x5e: {  	_ =	shalt  }
0x5f: {  	_ =	shalt  }
0x60: {  	_ =	shalt  }
0x61: {  	_ =	shalt  }
0x62: {  	_ =	shalt  }
0x63: {  	_ =	shalt  }
0x64: {  	_ =	shalt  }
0x65: {  	_ =	shalt  }
0x66: {  	_ =	shalt  }
0x67: {  	_ =	shalt  }
0x68: {  	_ =	shalt  }
0x69: {  	_ =	shalt  }
0x6a: {  	_ =	shalt  }
0x6b: {  	_ =	shalt  }
0x6c: {  	_ =	shalt  }
0x6d: {  	_ =	shalt  }
0x6e: {  	_ =	shalt  }
0x6f: {  	_ =	shalt  }
0x70: {  	_ =	shalt  }
0x71: {  	_ =	shalt  }
0x72: {  	_ =	shalt  }
0x73: {  	_ =	shalt  }
0x74: {  	_ =	shalt  }
0x75: {  	_ =	shalt  }
0x76: {  	_ =	shalt  }
0x77: {  	_ =	shalt  }
0x78: {  	_ =	shalt  }
0x79: {  	_ =	shalt  }
0x7a: {  	_ =	shalt  }
0x7b: {  	_ =	shalt  }
0x7c: {  	_ =	shalt  }
0x7d: {  	_ =	shalt  }
0x7e: {  	_ =	shalt  }
0x7f: {  	_ =	shalt  }
0x80: {  	_ =	shalt  }
0x81: {  	_ =	shalt  }
0x82: {  	_ =	shalt  }
0x83: {  	_ =	shalt  }
0x84: {  	_ =	shalt  }
0x85: {  	_ =	shalt  }
0x86: {  	_ =	shalt  }
0x87: {  	_ =	shalt  }
.Lfunc_end0:
.L_simem_size_0:
called_computation_lowered:
.L_overlay_start_0:
0x88: {  	s2 =	sld [smem:$0x3FD9]  }
0x89: {  	s3 =	sld [smem:$0x3FFE];
	_ =	sdelay $0x1  }
0x8a: {  	s1 =	srdreg.scid  }
0x8b: {  	s0 =	sand.u32 $0x1, s1  }
0x8c: {  	s17 =	sshll.u32 s0, $0xA;
	s2 =	sadd.s32 s3, s2  }
0x8d: {  	s2 =	sadd.s32 s2, s17  }
0x8e: {  	[smem:$0x3FC4] =	sst s2  }
0x8f: {  	_ = 	snop  }
0x90: {  	s2 =	sld [smem:$0x3FC9];
	(tm) =	ssettm $0x1  }
0x91: {  	s18 =	sld [smem:$0x3FFB];
	_ =	sdelay $0x3  }
0x92: {  	_ =	strace s18  }
0x93: {  	s3 =	sld [smem:$0x3FFC];
	_ =	sdelay $0x3  }
0x94: {  	_ =	strace s3  }
0x95: {  	s3 =	sld [smem:$0x3FFD];
	_ =	sdelay $0x3  }
0x96: {  	_ =	strace s3  }
0x97: {  	_ =	strace $0x8FFFFFFF  }
0x98: {  	s19 =	sld [smem:$0x3FDB];
	_ =	sdelay $0x1  }
0x99: {  	s4 =	simm.s32 $_scs_section_size  }
0x9a: {  	s5 =	simm.s32 $_size__tile_overlayer_lowered;
	s6 =	simm.s32 $_tile_overlayer_lowered  }
0x9b: {  	s22 =	simm.s32 $0x1BFF;
	s21 =	sshll.u32 s6, $0x1;
	s3 =	sadd.s32 s4, s19  }
0x9c: {  	s7 =	simm.s32 $0x0;
	s20 =	sshll.u32 s5, $0x1;
	s5 =	sadd.s32 s21, s3  }
0x9d: {  	[timem:s7], [sflag:s22] =	dma.local [hbm:s5], s20  }
0x9e: {  	_ =	swait.ge [sflag:s22], s20  }
0x9f: {  	s4 =	ssub.s32 $0x0, s20;
	[sflag:s22] =	ssyncset.done $0x0  }
0xa0: {  	[sflag:s22] =	ssyncadd.s32 s4;
	_ =	sdelay $0x1  }
0xa1: {  	s23 =	simm.s32 $0x1B8B  }
0xa2: {  	_ =	swait.ge [sflag:s23], $0x1  }
0xa3: {  	[sflag:s23] =	ssyncset.done $0x0  }
0xa4: {  	s25 =	simm.s32 $0x1B8E;
	s24 =	sld [smem:$0x3FFE];
	[sflag:s23] =	ssyncadd.s32 $0xFFFFFFFF  }
0xa5: {  	s26 =	simm.s32 $execute0_lowered;
	[smem:$0x3FD2] =	sst s25  }
0xa6: {  	s5 =	sshll.u32 s26, $0x1;
	_ =	strace $0x80000046;
	[dreg:$0x1] =	wrdreg $0xFFFFFFFF  }
0xa7: {  	s28 =	simm.s32 $_size_execute0_lowered;
	s3 =	sadd.s32 s3, s5;
	[dreg:$0x0] =	wrdreg $0x0  }
0xa8: {  	s5 =	sshll.u32 s28, $0x1;
	[dreg:$0x2] =	wrdreg s3  }
0xa9: {  	[dreg:$0x3] =	wrdreg s5  }
0xaa: {  	[dreg:$0x4] =	wrdreg $0xC0  }
0xab: {  	_ =	task [dreg:s7], $0x5FFFF  }
0xac: {  	[dreg:$0x1] =	wrdreg $0xFFFFFFFF  }
0xad: {  	[dreg:$0x0] =	wrdreg $0x60  }
0xae: {  	[dreg:$0x2] =	wrdreg s2  }
0xaf: {  	[dreg:$0x3] =	wrdreg s24  }
0xb0: {  	[dreg:$0x4] =	wrdreg $0x9  }
0xb1: {  	_ =	task.clear_ibuf [dreg:s7], $0x5FFFF;
	_ =	strace $0x90000046  }
0xb2: {  	s29 =	simm.s32 $0x9;
	_ =	strace $0x80000048  }
0xb3: {  	_ =	swait.ge [sflag:s29], $0x1  }
0xb4: {  	[sflag:s29] =	ssyncadd.s32 $0xFFFFFFFF  }
0xb5: {  	_ =	strace $0x90000048  }
0xb6: {  	_ =	sfence  }
0xb7: {  	s30 =	sld [smem:$0x0];
	_ =	sdelay $0x2  }
0xb8: {  	s31 =	sshll.u32 s1, $0xD;
	s1 =	sshrl.u32 s1, $0x2  }
0xb9: {  	s3 =	sand.u32 $0x4000, s31;
	s1 =	sadd.s32 s1, s30  }
0xba: {  	s0 =	sor.u32 s3, s0;
	s1 =	sshll.u32 s1, $0x11  }
0xbb: {  	s0 =	sor.u32 s1, s0  }
0xbc: {  	s0 =	sadd.s32 $0x8F2B, s0  }
0xbd: {  	[sflag:s0] =	ssyncadd.remote.s32 $0x1  }
0xbe: {  	_ =	sfence.sel $0xFFFF  }
0xbf: {  	[dreg:$0x0] =	wrdreg $0xFFFFFFFF;
	(pc) =	sbr.abs _section_cstart, $3  }
0xc0: {  	[dreg:$0x1] =	wrdreg $0xFFFFFFFF  }
0xc1: {  	_ =	task.clear_ibuf [dreg:s7], $0x2FFFF;
	_ =	strace $0x9FFFFFFF  }
0xc2: {  	(tm) =	ssettm $0x7FFFFFFF  }
0xc3: {  	_ =	shalt  }
tec
execute0_lowered:
.L_overlay_start_1:
0x0: {  	(tag) =	ssettag $0x1  }
0x1: {  	s1 =	srdreg.scid  }
0x2: {  	s0 =	stileid.u32;
	s3 =	rddreg [dreg:$0x0]  }
0x3: {  	s6 =	rddreg [dreg:$0x1];
	s18 =	simm.s32 $0x880;
	s19 =	simm.s32 $0x1080  }
0x4: {  	s20 =	simm.s32 $0x1880;
	s22 =	simm.s32 $0x2080;
	s23 =	simm.s32 $0x2880  }
0x5: {  	s7 =	simm.s32 $0x3080;
	s24 =	simm.s32 $0x3880;
	s8 =	simm.s32 $0x4080  }
0x6: {  	s25 =	simm.s32 $0x4880;
	s26 =	simm.s32 $0x5080;
	s1 =	sand.u32 $0x1, s1  }
0x7: {  	s9 =	simm.s32 $0x80;
	s2 =	sshll.u32 s0, $0x7;
	s4 =	sshll.u32 s1, $0x6  }
0x8: {  	s11 =	simm.s32 $0x6080;
	s4 =	sor.u32 s4, s2;
	s2 =	simm.s32 $0x0  }
0x9: {  	s12 =	simm.s32 $0x6880;
	s13 =	simm.s32 $0x7080;
	[smem:$0x7FF] =	sst s2  }
0xa: {  	s14 =	simm.s32 $0x7880;
	_ =	strace $0x80000047;
	[dreg:$0x5] =	wrdreg s18  }
0xb: {  	s15 =	simm.s32 $0x8080;
	s16 =	simm.s32 $0x8880;
	[dreg:$0x6] =	wrdreg s19  }
0xc: {  	s17 =	simm.s32 $0x9080;
	s28 =	simm.s32 $0xE080;
	[dreg:$0x7] =	wrdreg s20  }
0xd: {  	s29 =	simm.s32 $0xE880;
	s30 =	simm.s32 $0xF080;
	[dreg:$0x8] =	wrdreg s22  }
0xe: {  	s31 =	simm.s32 $0xF880;
	s1 =	ssub.s32 $0x2, s1;
	[dreg:$0x9] =	wrdreg s23  }
0xf: {  	s21 =	sshrl.u32 s1, $0x1;
	s5 =	sshrl.u32 s4, $0x3;
	[dreg:$0xa] =	wrdreg s7  }
0x10: {  	s4 =	sshll.u32 s4, $0x7;
	s1 =	ssub.s32 s1, s21;
	[dreg:$0xb] =	wrdreg s24  }
0x11: {  	s21 =	simm.s32 $0xB080;
	s5 =	sadd.s32 s5, s6;
	[dreg:$0xc] =	wrdreg s8  }
0x12: {  	s3 =	sadd.s32 s3, s4;
	s4 =	sadd.s32 $0x1500, s6;
	[dreg:$0xd] =	wrdreg s25  }
0x13: {  	s7 =	smax.u32 s1, $0x1;
	s8 =	simm.s32 $0x2;
	[dreg:$0xe] =	wrdreg s26  }
0x14: {  	s18 =	simm.s32 $0x9880;
	s19 =	simm.s32 $0xA080;
	s20 =	simm.s32 $0xA880  }
0x15: {  	s22 =	simm.s32 $0xB880;
	s23 =	simm.s32 $0xC080;
	s24 =	simm.s32 $0xC880  }
0x16: {  	v2 =	vlaneseq.u32;
	s25 =	simm.s32 $0xD080;
	s26 =	simm.s32 $0xD880;
	s1 =	simm.s32 $0x1  }
0x17: {  	vm0 =	vmmov $0xffff;
	v1 =	vshrl.u32 v2, $0x3;
	s5 =	sadd.s32 $0x1200, s5;
	[dreg:$0x4] =	wrdreg s3;
	s3 =	sadd.s32 $0x1400, s6  }
0x18: {  	v0 =	vand.u32 $0x7, v2;
	v2 =	vor.u32 $0x8, v2;
	v1 =	vmul.u32 $0x8, v1;
	[dreg:$0x3] =	wrdreg s5;
	s5 =	sadd.s32 $0x1600, s6;
	s6 =	sadd.s32 $0x1700, s6  }
.LBB2_1:
0x19: {  	s0 =	rddreg [dreg:$0x3]  }
0x1a: {  	[tilespmem:s2], [sflag:$0x2] =	stream.linear.gather [hbm4b:s0+s2], $0x40, $0x38;
	[tilespmem:$0x10080] =	vst v63  }
0x1b: {  	_ =	swait.ge [sflag:s8], $0x40  }
0x1c: {  	[sflag:s8] =	ssyncset.done $0x0  }
0x1d: {  	s10 =	rddreg [dreg:$0x4];
	[sflag:s8] =	ssyncadd.s32 $0xFFFFFFC0  }
0x1e: {  	[tilespmem:s9], [sflag:$0x2] =	stream.linear.gather [hbm4b:s10+s2], $0x10000, $0x38;
	[tilespmem:$0x10080] =	vst v63  }
0x1f: {  	_ =	swait.ge [sflag:s8], $0x10000  }
0x20: {  	[sflag:s8] =	ssyncset.done $0x0  }
0x21: {  	[sflag:s8] =	ssyncadd.s32 $0xFFFF0000  }
0x22: {  	v3 =	vld [tilespmem:$0x0];
	_ =	sdelay $0x4  }
0x23: {  	v4 =	vshll.u32 v3, $0x3  }
0x24: {  	v3 =	vand.u32 $0x7, v3;
	v4 =	vand.u32 $0xFFFFFFC0, v4  }
0x25: {  	v3 =	vor.u32 v3, v4  }
0x26: {  	v4 =	vperm.xlane v3, v0;
	_ =	sdelay $0x1  }
0x27: {  	v4 =	vadd.s32 v1, v4;
	_ =	sdelay $0x4  }
0x28: {  	[hbm4b:s3+s2] =	stream.indirect_vreg.scatter [tilespmem:s9], [sflag:$0x1], $0x80, v4, vm0, $0xb8;
	[tilespmem:$0x10080] =	vst v63  }
0x29: {  	s0 =	rddreg [dreg:$0x5];
	v3 =	vperm.xlane v3, v2  }
0x2a: {  	[hbm4b:s4+s2] =	stream.indirect_vreg.scatter [tilespmem:s0], [sflag:$0x1], $0x80, v4, vm0, $0xb8;
	[tilespmem:$0x10080] =	vst v63  }
0x2b: {  	s10 =	rddreg [dreg:$0x6];
	v3 =	vadd.s32 v1, v3  }
0x2c: {  	[hbm4b:s5+s2] =	stream.indirect_vreg.scatter [tilespmem:s10], [sflag:$0x1], $0x80, v4, vm0, $0xb8;
	[tilespmem:$0x10080] =	vst v63  }
0x2d: {  	s0 =	rddreg [dreg:$0x7]  }
0x2e: {  	[hbm4b:s6+s2] =	stream.indirect_vreg.scatter [tilespmem:s0], [sflag:$0x1], $0x80, v4, vm0, $0xb8;
	[tilespmem:$0x10080] =	vst v63  }
0x2f: {  	s10 =	rddreg [dreg:$0x8]  }
0x30: {  	[hbm4b:s3+s2] =	stream.indirect_vreg.scatter [tilespmem:s10], [sflag:$0x1], $0x80, v3, vm0, $0xb8;
	[tilespmem:$0x10080] =	vst v63  }
0x31: {  	s0 =	rddreg [dreg:$0x9]  }
0x32: {  	[hbm4b:s4+s2] =	stream.indirect_vreg.scatter [tilespmem:s0], [sflag:$0x1], $0x80, v3, vm0, $0xb8;
	[tilespmem:$0x10080] =	vst v63  }
0x33: {  	s10 =	rddreg [dreg:$0xa]  }
0x34: {  	[hbm4b:s5+s2] =	stream.indirect_vreg.scatter [tilespmem:s10], [sflag:$0x1], $0x80, v3, vm0, $0xb8;
	[tilespmem:$0x10080] =	vst v63  }
0x35: {  	s0 =	rddreg [dreg:$0xb]  }
0x36: {  	[hbm4b:s6+s2] =	stream.indirect_vreg.scatter [tilespmem:s0], [sflag:$0x1], $0x80, v3, vm0, $0xb8;
	[tilespmem:$0x10080] =	vst v63  }
0x37: {  	v3 =	vld [tilespmem:$0x10];
	_ =	sdelay $0x4  }
0x38: {  	v61 =	vshll.u32 v3, $0x3  }
0x39: {  	v3 =	vand.u32 $0x7, v3;
	v4 =	vand.u32 $0xFFFFFFC0, v61  }
0x3a: {  	v3 =	vor.u32 v3, v4  }
0x3b: {  	v4 =	vperm.xlane v3, v0;
	_ =	sdelay $0x1  }
0x3c: {  	v4 =	vadd.s32 v1, v4;
	_ =	sdelay $0x3  }
0x3d: {  	s0 =	rddreg [dreg:$0xc]  }
0x3e: {  	[hbm4b:s3+s2] =	stream.indirect_vreg.scatter [tilespmem:s0], [sflag:$0x1], $0x80, v4, vm0, $0xb8;
	[tilespmem:$0x10080] =	vst v63  }
0x3f: {  	s10 =	rddreg [dreg:$0xd];
	v3 =	vperm.xlane v3, v2  }
0x40: {  	[hbm4b:s4+s2] =	stream.indirect_vreg.scatter [tilespmem:s10], [sflag:$0x1], $0x80, v4, vm0, $0xb8;
	[tilespmem:$0x10080] =	vst v63  }
0x41: {  	v3 =	vadd.s32 v1, v3;
	s0 =	rddreg [dreg:$0xe]  }
0x42: {  	[hbm4b:s5+s2] =	stream.indirect_vreg.scatter [tilespmem:s0], [sflag:$0x1], $0x80, v4, vm0, $0xb8;
	[tilespmem:$0x10080] =	vst v63  }
0x43: {  	s10 =	simm.s32 $0x5880  }
0x44: {  	[hbm4b:s6+s2] =	stream.indirect_vreg.scatter [tilespmem:s10], [sflag:$0x1], $0x80, v4, vm0, $0xb8;
	[tilespmem:$0x10080] =	vst v63  }
0x45: {  	_ = 	snop  }
0x46: {  	[hbm4b:s3+s2] =	stream.indirect_vreg.scatter [tilespmem:s11], [sflag:$0x1], $0x80, v3, vm0, $0xb8;
	[tilespmem:$0x10080] =	vst v63  }
0x47: {  	_ = 	snop  }
0x48: {  	[hbm4b:s4+s2] =	stream.indirect_vreg.scatter [tilespmem:s12], [sflag:$0x1], $0x80, v3, vm0, $0xb8;
	[tilespmem:$0x10080] =	vst v63  }
0x49: {  	_ = 	snop  }
0x4a: {  	[hbm4b:s5+s2] =	stream.indirect_vreg.scatter [tilespmem:s13], [sflag:$0x1], $0x80, v3, vm0, $0xb8;
	[tilespmem:$0x10080] =	vst v63  }
0x4b: {  	_ = 	snop  }
0x4c: {  	[hbm4b:s6+s2] =	stream.indirect_vreg.scatter [tilespmem:s14], [sflag:$0x1], $0x80, v3, vm0, $0xb8;
	[tilespmem:$0x10080] =	vst v63  }
0x4d: {  	v3 =	vld [tilespmem:$0x20];
	_ =	sdelay $0x4  }
0x4e: {  	v62 =	vshll.u32 v3, $0x3  }
0x4f: {  	v3 =	vand.u32 $0x7, v3;
	v4 =	vand.u32 $0xFFFFFFC0, v62  }
0x50: {  	v3 =	vor.u32 v3, v4  }
0x51: {  	v4 =	vperm.xlane v3, v0;
	_ =	sdelay $0x1  }
0x52: {  	v4 =	vadd.s32 v1, v4;
	_ =	sdelay $0x4  }
0x53: {  	[hbm4b:s3+s2] =	stream.indirect_vreg.scatter [tilespmem:s15], [sflag:$0x1], $0x80, v4, vm0, $0xb8;
	[tilespmem:$0x10080] =	vst v63  }
0x54: {  	v3 =	vperm.xlane v3, v2  }
0x55: {  	[hbm4b:s4+s2] =	stream.indirect_vreg.scatter [tilespmem:s16], [sflag:$0x1], $0x80, v4, vm0, $0xb8;
	[tilespmem:$0x10080] =	vst v63  }
0x56: {  	v3 =	vadd.s32 v1, v3  }
0x57: {  	[hbm4b:s5+s2] =	stream.indirect_vreg.scatter [tilespmem:s17], [sflag:$0x1], $0x80, v4, vm0, $0xb8;
	[tilespmem:$0x10080] =	vst v63  }
0x58: {  	_ = 	snop  }
0x59: {  	[hbm4b:s6+s2] =	stream.indirect_vreg.scatter [tilespmem:s18], [sflag:$0x1], $0x80, v4, vm0, $0xb8;
	[tilespmem:$0x10080] =	vst v63  }
0x5a: {  	_ = 	snop  }
0x5b: {  	[hbm4b:s3+s2] =	stream.indirect_vreg.scatter [tilespmem:s19], [sflag:$0x1], $0x80, v3, vm0, $0xb8;
	[tilespmem:$0x10080] =	vst v63  }
0x5c: {  	_ = 	snop  }
0x5d: {  	[hbm4b:s4+s2] =	stream.indirect_vreg.scatter [tilespmem:s20], [sflag:$0x1], $0x80, v3, vm0, $0xb8;
	[tilespmem:$0x10080] =	vst v63  }
0x5e: {  	_ = 	snop  }
0x5f: {  	[hbm4b:s5+s2] =	stream.indirect_vreg.scatter [tilespmem:s21], [sflag:$0x1], $0x80, v3, vm0, $0xb8;
	[tilespmem:$0x10080] =	vst v63  }
0x60: {  	_ = 	snop  }
0x61: {  	[hbm4b:s6+s2] =	stream.indirect_vreg.scatter [tilespmem:s22], [sflag:$0x1], $0x80, v3, vm0, $0xb8;
	[tilespmem:$0x10080] =	vst v63  }
0x62: {  	v3 =	vld [tilespmem:$0x30];
	_ =	sdelay $0x4  }
0x63: {  	v63 =	vshll.u32 v3, $0x3  }
0x64: {  	v3 =	vand.u32 $0x7, v3;
	v4 =	vand.u32 $0xFFFFFFC0, v63  }
0x65: {  	v3 =	vor.u32 v3, v4  }
0x66: {  	v4 =	vperm.xlane v3, v0;
	_ =	sdelay $0x1  }
0x67: {  	v4 =	vadd.s32 v1, v4;
	_ =	sdelay $0x4  }
0x68: {  	[hbm4b:s3+s2] =	stream.indirect_vreg.scatter [tilespmem:s23], [sflag:$0x1], $0x80, v4, vm0, $0xb8;
	[tilespmem:$0x10080] =	vst v63  }
0x69: {  	v3 =	vperm.xlane v3, v2  }
0x6a: {  	[hbm4b:s4+s2] =	stream.indirect_vreg.scatter [tilespmem:s24], [sflag:$0x1], $0x80, v4, vm0, $0xb8;
	[tilespmem:$0x10080] =	vst v63  }
0x6b: {  	v3 =	vadd.s32 v1, v3  }
0x6c: {  	[hbm4b:s5+s2] =	stream.indirect_vreg.scatter [tilespmem:s25], [sflag:$0x1], $0x80, v4, vm0, $0xb8;
	[tilespmem:$0x10080] =	vst v63  }
0x6d: {  	_ = 	snop  }
0x6e: {  	[hbm4b:s6+s2] =	stream.indirect_vreg.scatter [tilespmem:s26], [sflag:$0x1], $0x80, v4, vm0, $0xb8;
	[tilespmem:$0x10080] =	vst v63  }
0x6f: {  	_ = 	snop  }
0x70: {  	[hbm4b:s3+s2] =	stream.indirect_vreg.scatter [tilespmem:s28], [sflag:$0x1], $0x80, v3, vm0, $0xb8;
	[tilespmem:$0x10080] =	vst v63  }
0x71: {  	_ = 	snop  }
0x72: {  	[hbm4b:s4+s2] =	stream.indirect_vreg.scatter [tilespmem:s29], [sflag:$0x1], $0x80, v3, vm0, $0xb8;
	[tilespmem:$0x10080] =	vst v63  }
0x73: {  	p0 =	sne.s32 s7, $0x1  }
0x74: {  	[hbm4b:s5+s2] =	stream.indirect_vreg.scatter [tilespmem:s30], [sflag:$0x1], $0x80, v3, vm0, $0xb8;
	[tilespmem:$0x10080] =	vst v63  }
.Ltmp0:
0x75: {  	_ = 	snop;
	(pc) =	sbr.rel @p0 .LBB2_1-.Ltmp0, $4  }
0x76: {  	[hbm4b:s6+s2] =	stream.indirect_vreg.scatter [tilespmem:s31], [sflag:$0x1], $0x80, v3, vm0, $0xb8;
	[tilespmem:$0x10080] =	vst v63  }
0x77: {  	_ =	swait.ge [sflag:s1], $0x10000  }
0x78: {  	[sflag:s1] =	ssyncset.done $0x0  }
0x79: {  	s7 =	sadd.s32 $0xFFFFFFFF, s7;
	[sflag:s1] =	ssyncadd.s32 $0xFFFF0000  }
0x7a: {  	_ =	sfence.sel $0x180000  }
0x7b: {  	[bflag:$0x0] =	sbarrier.arrive $0xFFFF  }
0x7c: {  	_ =	strace $0x90000047  }
0x7d: {  	s0 =	stileid.u32;
	[bflag:$0x2] =	sbarrier.arrive $0xFFFF  }
0x7e: {  	p0 =	sne.s32 s0, $0x0;
	s0 =	rddreg [dreg:$0x2]  }
0x7f: {  	s0 =	sadd.s32 @!p0 $0x100000, s0  }
0x80: {  	[sflag:s0] =	ssyncadd.tile.s32 @!p0 $0x1;
	_ =	shalt  }
.Lfunc_end2:
_tile_overlayer_lowered:
.L_overlay_start_2:
0x81: {  	(tag) =	ssettag $0x2  }
0x82: {  	s0 =	rddreg [dreg:$0x0];
	s2 =	stileid.u32  }
0x83: {  	s1 =	rddreg [dreg:$0x1];
	p0 =	sne.s32 s2, $0x0  }
0x84: {  	s3 =	rddreg [dreg:$0x2];
	[bflag:$0x3] =	sbarrier.arrive $0xFFFF;
	s2 =	simm.s32 @!p0 $0x1C02  }
0x85: {  	[timem:s3], [sflag:s2] =	dma.local @!p0 [hbm:s0], s1  }
0x86: {  	s0 =	simm.s32 @!p0 $0x2  }
0x87: {  	_ =	swait.ge @!p0 [sflag:s0], s1  }
0x88: {  	s1 =	ssub.s32 @!p0 $0x0, s1;
	[sflag:s0] =	ssyncset.done @!p0 $0x0  }
0x89: {  	[sflag:s0] =	ssyncadd.s32 @!p0 s1  }
0x8a: {  	[bflag:$0x3] =	sbarrier.arrive $0xFFFF  }
0x8b: {  	_ =	shalt  }

// kernel: kernel.9.cloned.1.call-start
scs
__scs_entry_jumppad:
0x0: {  	(pc) =	sbr.rel $0x88, $3  }
0x1: {  	(tag) =	ssettag $0x0;
	lr =	simm.s32 $0x1  }
0x2: {  	[smem:$0x3F9D] =	sst lr;
	_ =	strace $0xD0000000  }
0x3: {  	_ = 	snop  }
0x4: {  	_ = 	snop  }
0x5: {  	_ = 	snop  }
0x6: {  	_ = 	snop  }
0x7: {  	_ = 	snop  }
__scs_overlays_trampoline_lowered:
0x8: {  	[smem:$0x3FAC] =	sst s0  }
0x9: {  	[smem:$0x3FAD] =	sst s1  }
0xa: {  	[smem:$0x3FAE] =	sst s2  }
0xb: {  	[smem:$0x3FAF] =	sst s3  }
0xc: {  	[smem:$0x3FB0] =	sst s4  }
0xd: {  	[smem:$0x3FB1] =	sst s5  }
0xe: {  	[smem:$0x3FB2] =	sst s6  }
0xf: {  	[smem:$0x3FB3] =	sst s7  }
0x10: {  	[smem:$0x3FB4] =	sst s8  }
0x11: {  	[smem:$0x3FB5] =	sst s9;
	s0 =	simm.s32 @!p0 $0x0  }
0x12: {  	s1 =	sld [smem:$0x3F9B];
	s0 =	simm.s32 @p0 $0x1  }
0x13: {  	[smem:$0x3FB6] =	sst s0;
	s0 =	simm.s32 @!p1 $0x0  }
0x14: {  	s2 =	sld [smem:$0x3F9A];
	s0 =	simm.s32 @p1 $0x1  }
0x15: {  	[smem:$0x3FB7] =	sst s0;
	s0 =	simm.s32 @!p2 $0x0  }
0x16: {  	s3 =	sld [smem:$0x3FDB];
	s0 =	simm.s32 @p2 $0x1  }
0x17: {  	s4 =	simm.s32 $0x1BF5;
	[smem:$0x3FB9] =	sst s0  }
0x18: {  	s0 =	sld [smem:$0x3F9C];
	_ =	swait.ge [sflag:s4], $0x0  }
0x19: {  	s7 =	sld [smem:$0x3F9D]  }
0x1a: {  	s8 =	sadd.s32 $0xFFFFE003, lr  }
0x1b: {  	s9 =	sadd.s32 $0xFFFFFEF7, lr;
	s5 =	simm.s32 $0xFFFFFFFF;
	p2 =	slt.u32 s8, $0xFFFFF086  }
0x1c: {  	p1 =	slt.u32 s9, $0xF7A;
	s5 =	simm.s32 @!p2 $0x0  }
0x1d: {  	s5 =	simm.s32 @p1 $0x1;
	p0 =	seq.s32 s7, s2  }
0x1e: {  	s7 =	smul.u32 @!p0 $0xF7A, s2;
	p2 =	seq.s32 @!p0 s5, $0x0  }
0x1f: {  	s9 =	smul.u32 $0xF7A, s1;
	s8 =	simm.s32 @!p0 $0x1BF5;
	p2 =	por !p2, p0  }
0x20: {  	[sflag:s8] =	ssyncset.s32 @!p0 $0xFFFFF086;
	s6 =	sadd.s32 @!p0 s3, s7;
	s7 =	simm.s32 @!p0 $0x108  }
0x21: {  	s3 =	sadd.s32 s3, s9;
	s6 =	sadd.s32 @!p0 $0x88, s6;
	s7 =	simm.s32 @p2 $0x1082  }
0x22: {  	[simem:s7], [sflag:s8] =	dma.local @!p0 [hbm:s6], $0xF7A  }
0x23: {  	s9 =	sor.u32 $0xD0000000, s2;
	s6 =	simm.s32 $0x108;
	_ =	swait.ge @!p0 [sflag:s8], $0x0  }
0x24: {  	s3 =	sadd.s32 $0x88, s3;
	s6 =	simm.s32 @!p1 $0x1082;
	[sflag:s4] =	ssyncset.s32 $0xFFFFF086  }
0x25: {  	[simem:s6], [sflag:s4] =	dma.local [hbm:s3], $0xF7A  }
0x26: {  	[smem:$0x3F9D] =	sst s1;
	(tag) =	ssettag s2;
	_ =	strace s9  }
0x27: {  	s1 =	sld [smem:$0x3FAD]  }
0x28: {  	s2 =	sld [smem:$0x3FAE]  }
0x29: {  	s4 =	sld [smem:$0x3FB0]  }
0x2a: {  	p0 =	seq.s32 s5, $0x0;
	s5 =	sld [smem:$0x3FB1]  }
0x2b: {  	s6 =	sld [smem:$0x3FB2]  }
0x2c: {  	s7 =	sld [smem:$0x3FB3]  }
0x2d: {  	s3 =	simm.s32 $0x108;
	s8 =	sld [smem:$0x3FB4]  }
0x2e: {  	s3 =	simm.s32 @!p0 $0x1082;
	s9 =	sld [smem:$0x3FB5]  }
0x2f: {  	lr =	sadd.s32 s0, s3;
	s0 =	sld [smem:$0x3FAC]  }
0x30: {  	s3 =	sld [smem:$0x3FAF]  }
0x31: {  	[smem:$0x3FB8] =	sst s10  }
0x32: {  	s10 =	sld [smem:$0x3FB6];
	_ =	sdelay $0x3  }
0x33: {  	p0 =	seq.s32 s10, $0x1;
	s10 =	sld [smem:$0x3FB8];
	_ =	sdelay $0x3  }
0x34: {  	[smem:$0x3FB8] =	sst s10  }
0x35: {  	s10 =	sld [smem:$0x3FB7];
	_ =	sdelay $0x3  }
0x36: {  	p1 =	seq.s32 s10, $0x1;
	s10 =	sld [smem:$0x3FB8];
	_ =	sdelay $0x3  }
0x37: {  	[smem:$0x3FB8] =	sst s10  }
0x38: {  	s10 =	sld [smem:$0x3FB9]  }
0x39: {  	_ = 	snop;
	(pc) =	sbr.ind lr, $3  }
0x3a: {  	_ = 	snop  }
0x3b: {  	_ = 	snop  }
0x3c: {  	p2 =	seq.s32 s10, $0x1;
	s10 =	sld [smem:$0x3FB8]  }
0x3d: {  	_ =	shalt  }
0x3e: {  	_ =	shalt  }
0x3f: {  	_ =	shalt  }
0x40: {  	_ =	shalt  }
0x41: {  	_ =	shalt  }
0x42: {  	_ =	shalt  }
0x43: {  	_ =	shalt  }
0x44: {  	_ =	shalt  }
0x45: {  	_ =	shalt  }
0x46: {  	_ =	shalt  }
0x47: {  	_ =	shalt  }
0x48: {  	_ =	shalt  }
0x49: {  	_ =	shalt  }
0x4a: {  	_ =	shalt  }
0x4b: {  	_ =	shalt  }
0x4c: {  	_ =	shalt  }
0x4d: {  	_ =	shalt  }
0x4e: {  	_ =	shalt  }
0x4f: {  	_ =	shalt  }
0x50: {  	_ =	shalt  }
0x51: {  	_ =	shalt  }
0x52: {  	_ =	shalt  }
0x53: {  	_ =	shalt  }
0x54: {  	_ =	shalt  }
0x55: {  	_ =	shalt  }
0x56: {  	_ =	shalt  }
0x57: {  	_ =	shalt  }
0x58: {  	_ =	shalt  }
0x59: {  	_ =	shalt  }
0x5a: {  	_ =	shalt  }
0x5b: {  	_ =	shalt  }
0x5c: {  	_ =	shalt  }
0x5d: {  	_ =	shalt  }
0x5e: {  	_ =	shalt  }
0x5f: {  	_ =	shalt  }
0x60: {  	_ =	shalt  }
0x61: {  	_ =	shalt  }
0x62: {  	_ =	shalt  }
0x63: {  	_ =	shalt  }
0x64: {  	_ =	shalt  }
0x65: {  	_ =	shalt  }
0x66: {  	_ =	shalt  }
0x67: {  	_ =	shalt  }
0x68: {  	_ =	shalt  }
0x69: {  	_ =	shalt  }
0x6a: {  	_ =	shalt  }
0x6b: {  	_ =	shalt  }
0x6c: {  	_ =	shalt  }
0x6d: {  	_ =	shalt  }
0x6e: {  	_ =	shalt  }
0x6f: {  	_ =	shalt  }
0x70: {  	_ =	shalt  }
0x71: {  	_ =	shalt  }
0x72: {  	_ =	shalt  }
0x73: {  	_ =	shalt  }
0x74: {  	_ =	shalt  }
0x75: {  	_ =	shalt  }
0x76: {  	_ =	shalt  }
0x77: {  	_ =	shalt  }
0x78: {  	_ =	shalt  }
0x79: {  	_ =	shalt  }
0x7a: {  	_ =	shalt  }
0x7b: {  	_ =	shalt  }
0x7c: {  	_ =	shalt  }
0x7d: {  	_ =	shalt  }
0x7e: {  	_ =	shalt  }
0x7f: {  	_ =	shalt  }
0x80: {  	_ =	shalt  }
0x81: {  	_ =	shalt  }
0x82: {  	_ =	shalt  }
0x83: {  	_ =	shalt  }
0x84: {  	_ =	shalt  }
0x85: {  	_ =	shalt  }
0x86: {  	_ =	shalt  }
0x87: {  	_ =	shalt  }
.Lfunc_end0:
.L_simem_size_0:
called_computation.1_lowered:
.L_overlay_start_0:
0x88: {  	s2 =	sld [smem:$0x3FD9]  }
0x89: {  	s3 =	sld [smem:$0x3FFE];
	_ =	sdelay $0x1  }
0x8a: {  	s1 =	srdreg.scid  }
0x8b: {  	s0 =	sand.u32 $0x1, s1  }
0x8c: {  	s17 =	sshll.u32 s0, $0xA;
	s2 =	sadd.s32 s3, s2  }
0x8d: {  	s2 =	sadd.s32 s2, s17  }
0x8e: {  	[smem:$0x3FC4] =	sst s2  }
0x8f: {  	_ = 	snop  }
0x90: {  	s2 =	sld [smem:$0x3FD0];
	(tm) =	ssettm $0x1  }
0x91: {  	s18 =	sld [smem:$0x3FFB];
	_ =	sdelay $0x3  }
0x92: {  	_ =	strace s18  }
0x93: {  	s3 =	sld [smem:$0x3FFC];
	_ =	sdelay $0x3  }
0x94: {  	_ =	strace s3  }
0x95: {  	s3 =	sld [smem:$0x3FFD];
	_ =	sdelay $0x3  }
0x96: {  	_ =	strace s3  }
0x97: {  	_ =	strace $0x8FFFFFFF  }
0x98: {  	s19 =	sld [smem:$0x3FDB];
	_ =	sdelay $0x1  }
0x99: {  	s4 =	simm.s32 $_scs_section_size  }
0x9a: {  	s5 =	simm.s32 $_size__tile_overlayer_lowered;
	s6 =	simm.s32 $_tile_overlayer_lowered  }
0x9b: {  	s22 =	simm.s32 $0x1BFF;
	s21 =	sshll.u32 s6, $0x1;
	s3 =	sadd.s32 s4, s19  }
0x9c: {  	s7 =	simm.s32 $0x0;
	s20 =	sshll.u32 s5, $0x1;
	s5 =	sadd.s32 s21, s3  }
0x9d: {  	[timem:s7], [sflag:s22] =	dma.local [hbm:s5], s20  }
0x9e: {  	_ =	swait.ge [sflag:s22], s20  }
0x9f: {  	s4 =	ssub.s32 $0x0, s20;
	[sflag:s22] =	ssyncset.done $0x0  }
0xa0: {  	[sflag:s22] =	ssyncadd.s32 s4;
	_ =	sdelay $0x1  }
0xa1: {  	s23 =	simm.s32 $0x1B8B  }
0xa2: {  	_ =	swait.ge [sflag:s23], $0x1  }
0xa3: {  	[sflag:s23] =	ssyncset.done $0x0  }
0xa4: {  	s25 =	simm.s32 $0x1B8E;
	s24 =	sld [smem:$0x3FFE];
	[sflag:s23] =	ssyncadd.s32 $0xFFFFFFFF  }
0xa5: {  	s26 =	simm.s32 $execute0_lowered;
	[smem:$0x3FD2] =	sst s25  }
0xa6: {  	s5 =	sshll.u32 s26, $0x1;
	_ =	strace $0x80000049;
	[dreg:$0x1] =	wrdreg $0xFFFFFFFF  }
0xa7: {  	s28 =	simm.s32 $_size_execute0_lowered;
	s3 =	sadd.s32 s3, s5;
	[dreg:$0x0] =	wrdreg $0x0  }
0xa8: {  	s5 =	sshll.u32 s28, $0x1;
	[dreg:$0x2] =	wrdreg s3  }
0xa9: {  	[dreg:$0x3] =	wrdreg s5  }
0xaa: {  	[dreg:$0x4] =	wrdreg $0xC0  }
0xab: {  	_ =	task [dreg:s7], $0x5FFFF  }
0xac: {  	[dreg:$0x1] =	wrdreg $0xFFFFFFFF  }
0xad: {  	[dreg:$0x0] =	wrdreg $0x60  }
0xae: {  	[dreg:$0x2] =	wrdreg s24  }
0xaf: {  	[dreg:$0x3] =	wrdreg s2  }
0xb0: {  	[dreg:$0x4] =	wrdreg $0x9  }
0xb1: {  	_ =	task.clear_ibuf [dreg:s7], $0x5FFFF;
	_ =	strace $0x90000049  }
0xb2: {  	s29 =	simm.s32 $0x9;
	_ =	strace $0x8000004B  }
0xb3: {  	_ =	swait.ge [sflag:s29], $0x1  }
0xb4: {  	[sflag:s29] =	ssyncadd.s32 $0xFFFFFFFF  }
0xb5: {  	_ =	strace $0x9000004B  }
0xb6: {  	_ =	sfence  }
0xb7: {  	s30 =	sld [smem:$0x0];
	_ =	sdelay $0x2  }
0xb8: {  	s31 =	sshll.u32 s1, $0xD;
	s1 =	sshrl.u32 s1, $0x2  }
0xb9: {  	s3 =	sand.u32 $0x4000, s31;
	s1 =	sadd.s32 s1, s30  }
0xba: {  	s0 =	sor.u32 s3, s0;
	s1 =	sshll.u32 s1, $0x11  }
0xbb: {  	s0 =	sor.u32 s1, s0  }
0xbc: {  	s0 =	sadd.s32 $0x8F2B, s0  }
0xbd: {  	[sflag:s0] =	ssyncadd.remote.s32 $0x1  }
0xbe: {  	_ =	sfence.sel $0xFFFF  }
0xbf: {  	[dreg:$0x0] =	wrdreg $0xFFFFFFFF;
	(pc) =	sbr.abs _section_cstart, $3  }
0xc0: {  	[dreg:$0x1] =	wrdreg $0xFFFFFFFF  }
0xc1: {  	_ =	task.clear_ibuf [dreg:s7], $0x2FFFF;
	_ =	strace $0x9FFFFFFF  }
0xc2: {  	(tm) =	ssettm $0x7FFFFFFF  }
0xc3: {  	_ =	shalt  }
tec
execute0_lowered:
.L_overlay_start_1:
0x0: {  	(tag) =	ssettag $0x1  }
0x1: {  	s1 =	srdreg.scid  }
0x2: {  	s0 =	stileid.u32;
	s6 =	rddreg [dreg:$0x0]  }
0x3: {  	s4 =	rddreg [dreg:$0x1];
	s18 =	simm.s32 $0x880;
	s19 =	simm.s32 $0x1080  }
0x4: {  	s20 =	simm.s32 $0x1880;
	s22 =	simm.s32 $0x2080;
	s23 =	simm.s32 $0x2880  }
0x5: {  	s7 =	simm.s32 $0x3080;
	s24 =	simm.s32 $0x3880;
	s8 =	simm.s32 $0x4080  }
0x6: {  	s25 =	simm.s32 $0x4880;
	s26 =	simm.s32 $0x5080;
	s1 =	sand.u32 $0x1, s1  }
0x7: {  	s9 =	simm.s32 $0x80;
	s2 =	sshll.u32 s0, $0x7;
	s3 =	sshll.u32 s1, $0x6  }
0x8: {  	s11 =	simm.s32 $0x6080;
	s3 =	sor.u32 s3, s2;
	s2 =	simm.s32 $0x0  }
0x9: {  	s12 =	simm.s32 $0x6880;
	s13 =	simm.s32 $0x7080;
	[smem:$0x7FF] =	sst s2  }
0xa: {  	s14 =	simm.s32 $0x7880;
	_ =	strace $0x8000004A;
	[dreg:$0x5] =	wrdreg s18  }
0xb: {  	s15 =	simm.s32 $0x8080;
	s16 =	simm.s32 $0x8880;
	[dreg:$0x6] =	wrdreg s19  }
0xc: {  	s17 =	simm.s32 $0x9080;
	s28 =	simm.s32 $0xE080;
	[dreg:$0x7] =	wrdreg s20  }
0xd: {  	s29 =	simm.s32 $0xE880;
	s30 =	simm.s32 $0xF080;
	[dreg:$0x8] =	wrdreg s22  }
0xe: {  	s31 =	simm.s32 $0xF880;
	s1 =	ssub.s32 $0x2, s1;
	[dreg:$0x9] =	wrdreg s23  }
0xf: {  	s21 =	sshrl.u32 s1, $0x1;
	s5 =	sshrl.u32 s3, $0x3;
	[dreg:$0xa] =	wrdreg s7  }
0x10: {  	s3 =	sshll.u32 s3, $0x7;
	s1 =	ssub.s32 s1, s21;
	[dreg:$0xb] =	wrdreg s24  }
0x11: {  	s21 =	simm.s32 $0xB080;
	s5 =	sadd.s32 s5, s6;
	[dreg:$0xc] =	wrdreg s8  }
0x12: {  	s3 =	sadd.s32 s4, s3;
	s4 =	sadd.s32 $0x1500, s6;
	[dreg:$0xd] =	wrdreg s25  }
0x13: {  	s7 =	smax.u32 s1, $0x1;
	s8 =	simm.s32 $0x2;
	[dreg:$0xe] =	wrdreg s26  }
0x14: {  	s18 =	simm.s32 $0x9880;
	s19 =	simm.s32 $0xA080;
	s20 =	simm.s32 $0xA880  }
0x15: {  	s22 =	simm.s32 $0xB880;
	s23 =	simm.s32 $0xC080;
	s24 =	simm.s32 $0xC880  }
0x16: {  	v2 =	vlaneseq.u32;
	s25 =	simm.s32 $0xD080;
	s26 =	simm.s32 $0xD880;
	s1 =	simm.s32 $0x1  }
0x17: {  	vm0 =	vmmov $0xffff;
	v1 =	vshrl.u32 v2, $0x3;
	s5 =	sadd.s32 $0x1200, s5;
	[dreg:$0x4] =	wrdreg s3;
	s3 =	sadd.s32 $0x1400, s6  }
0x18: {  	v0 =	vand.u32 $0x7, v2;
	v2 =	vor.u32 $0x8, v2;
	v1 =	vmul.u32 $0x8, v1;
	[dreg:$0x3] =	wrdreg s5;
	s5 =	sadd.s32 $0x1600, s6;
	s6 =	sadd.s32 $0x1700, s6  }
.LBB2_1:
0x19: {  	s0 =	rddreg [dreg:$0x3]  }
0x1a: {  	[tilespmem:s2], [sflag:$0x2] =	stream.linear.gather [hbm4b:s0+s2], $0x40, $0x38;
	[tilespmem:$0x10080] =	vst v63  }
0x1b: {  	_ =	swait.ge [sflag:s8], $0x40  }
0x1c: {  	[sflag:s8] =	ssyncset.done $0x0  }
0x1d: {  	[sflag:s8] =	ssyncadd.s32 $0xFFFFFFC0  }
0x1e: {  	v3 =	vld [tilespmem:$0x0];
	_ =	sdelay $0x4  }
0x1f: {  	v4 =	vshll.u32 v3, $0x3  }
0x20: {  	v3 =	vand.u32 $0x7, v3;
	v4 =	vand.u32 $0xFFFFFFC0, v4  }
0x21: {  	v3 =	vor.u32 v3, v4  }
0x22: {  	v4 =	vperm.xlane v3, v0;
	_ =	sdelay $0x1  }
0x23: {  	v4 =	vadd.s32 v1, v4;
	_ =	sdelay $0x4  }
0x24: {  	[tilespmem:s9], [sflag:$0x1] =	stream.indirect_vreg.gather [hbm4b:s3+s2], $0x80, v4, vm0, $0xb8;
	[tilespmem:$0x10080] =	vst v63  }
0x25: {  	s0 =	rddreg [dreg:$0x5];
	v3 =	vperm.xlane v3, v2  }
0x26: {  	[tilespmem:s0], [sflag:$0x1] =	stream.indirect_vreg.gather [hbm4b:s4+s2], $0x80, v4, vm0, $0xb8;
	[tilespmem:$0x10080] =	vst v63  }
0x27: {  	s10 =	rddreg [dreg:$0x6];
	v3 =	vadd.s32 v1, v3  }
0x28: {  	[tilespmem:s10], [sflag:$0x1] =	stream.indirect_vreg.gather [hbm4b:s5+s2], $0x80, v4, vm0, $0xb8;
	[tilespmem:$0x10080] =	vst v63  }
0x29: {  	s0 =	rddreg [dreg:$0x7]  }
0x2a: {  	[tilespmem:s0], [sflag:$0x1] =	stream.indirect_vreg.gather [hbm4b:s6+s2], $0x80, v4, vm0, $0xb8;
	[tilespmem:$0x10080] =	vst v63  }
0x2b: {  	s10 =	rddreg [dreg:$0x8]  }
0x2c: {  	[tilespmem:s10], [sflag:$0x1] =	stream.indirect_vreg.gather [hbm4b:s3+s2], $0x80, v3, vm0, $0xb8;
	[tilespmem:$0x10080] =	vst v63  }
0x2d: {  	s0 =	rddreg [dreg:$0x9]  }
0x2e: {  	[tilespmem:s0], [sflag:$0x1] =	stream.indirect_vreg.gather [hbm4b:s4+s2], $0x80, v3, vm0, $0xb8;
	[tilespmem:$0x10080] =	vst v63  }
0x2f: {  	s10 =	rddreg [dreg:$0xa]  }
0x30: {  	[tilespmem:s10], [sflag:$0x1] =	stream.indirect_vreg.gather [hbm4b:s5+s2], $0x80, v3, vm0, $0xb8;
	[tilespmem:$0x10080] =	vst v63  }
0x31: {  	s0 =	rddreg [dreg:$0xb]  }
0x32: {  	[tilespmem:s0], [sflag:$0x1] =	stream.indirect_vreg.gather [hbm4b:s6+s2], $0x80, v3, vm0, $0xb8;
	[tilespmem:$0x10080] =	vst v63  }
0x33: {  	v3 =	vld [tilespmem:$0x10];
	_ =	sdelay $0x4  }
0x34: {  	v61 =	vshll.u32 v3, $0x3  }
0x35: {  	v3 =	vand.u32 $0x7, v3;
	v4 =	vand.u32 $0xFFFFFFC0, v61  }
0x36: {  	v3 =	vor.u32 v3, v4  }
0x37: {  	v4 =	vperm.xlane v3, v0;
	_ =	sdelay $0x1  }
0x38: {  	v4 =	vadd.s32 v1, v4;
	_ =	sdelay $0x3  }
0x39: {  	s0 =	rddreg [dreg:$0xc]  }
0x3a: {  	[tilespmem:s0], [sflag:$0x1] =	stream.indirect_vreg.gather [hbm4b:s3+s2], $0x80, v4, vm0, $0xb8;
	[tilespmem:$0x10080] =	vst v63  }
0x3b: {  	s10 =	rddreg [dreg:$0xd];
	v3 =	vperm.xlane v3, v2  }
0x3c: {  	[tilespmem:s10], [sflag:$0x1] =	stream.indirect_vreg.gather [hbm4b:s4+s2], $0x80, v4, vm0, $0xb8;
	[tilespmem:$0x10080] =	vst v63  }
0x3d: {  	v3 =	vadd.s32 v1, v3;
	s0 =	rddreg [dreg:$0xe]  }
0x3e: {  	[tilespmem:s0], [sflag:$0x1] =	stream.indirect_vreg.gather [hbm4b:s5+s2], $0x80, v4, vm0, $0xb8;
	[tilespmem:$0x10080] =	vst v63  }
0x3f: {  	s10 =	simm.s32 $0x5880  }
0x40: {  	[tilespmem:s10], [sflag:$0x1] =	stream.indirect_vreg.gather [hbm4b:s6+s2], $0x80, v4, vm0, $0xb8;
	[tilespmem:$0x10080] =	vst v63  }
0x41: {  	_ = 	snop  }
0x42: {  	[tilespmem:s11], [sflag:$0x1] =	stream.indirect_vreg.gather [hbm4b:s3+s2], $0x80, v3, vm0, $0xb8;
	[tilespmem:$0x10080] =	vst v63  }
0x43: {  	_ = 	snop  }
0x44: {  	[tilespmem:s12], [sflag:$0x1] =	stream.indirect_vreg.gather [hbm4b:s4+s2], $0x80, v3, vm0, $0xb8;
	[tilespmem:$0x10080] =	vst v63  }
0x45: {  	_ = 	snop  }
0x46: {  	[tilespmem:s13], [sflag:$0x1] =	stream.indirect_vreg.gather [hbm4b:s5+s2], $0x80, v3, vm0, $0xb8;
	[tilespmem:$0x10080] =	vst v63  }
0x47: {  	_ = 	snop  }
0x48: {  	[tilespmem:s14], [sflag:$0x1] =	stream.indirect_vreg.gather [hbm4b:s6+s2], $0x80, v3, vm0, $0xb8;
	[tilespmem:$0x10080] =	vst v63  }
0x49: {  	v3 =	vld [tilespmem:$0x20];
	_ =	sdelay $0x4  }
0x4a: {  	v62 =	vshll.u32 v3, $0x3  }
0x4b: {  	v3 =	vand.u32 $0x7, v3;
	v4 =	vand.u32 $0xFFFFFFC0, v62  }
0x4c: {  	v3 =	vor.u32 v3, v4  }
0x4d: {  	v4 =	vperm.xlane v3, v0;
	_ =	sdelay $0x1  }
0x4e: {  	v4 =	vadd.s32 v1, v4;
	_ =	sdelay $0x4  }
0x4f: {  	[tilespmem:s15], [sflag:$0x1] =	stream.indirect_vreg.gather [hbm4b:s3+s2], $0x80, v4, vm0, $0xb8;
	[tilespmem:$0x10080] =	vst v63  }
0x50: {  	v3 =	vperm.xlane v3, v2  }
0x51: {  	[tilespmem:s16], [sflag:$0x1] =	stream.indirect_vreg.gather [hbm4b:s4+s2], $0x80, v4, vm0, $0xb8;
	[tilespmem:$0x10080] =	vst v63  }
0x52: {  	v3 =	vadd.s32 v1, v3  }
0x53: {  	[tilespmem:s17], [sflag:$0x1] =	stream.indirect_vreg.gather [hbm4b:s5+s2], $0x80, v4, vm0, $0xb8;
	[tilespmem:$0x10080] =	vst v63  }
0x54: {  	_ = 	snop  }
0x55: {  	[tilespmem:s18], [sflag:$0x1] =	stream.indirect_vreg.gather [hbm4b:s6+s2], $0x80, v4, vm0, $0xb8;
	[tilespmem:$0x10080] =	vst v63  }
0x56: {  	_ = 	snop  }
0x57: {  	[tilespmem:s19], [sflag:$0x1] =	stream.indirect_vreg.gather [hbm4b:s3+s2], $0x80, v3, vm0, $0xb8;
	[tilespmem:$0x10080] =	vst v63  }
0x58: {  	_ = 	snop  }
0x59: {  	[tilespmem:s20], [sflag:$0x1] =	stream.indirect_vreg.gather [hbm4b:s4+s2], $0x80, v3, vm0, $0xb8;
	[tilespmem:$0x10080] =	vst v63  }
0x5a: {  	_ = 	snop  }
0x5b: {  	[tilespmem:s21], [sflag:$0x1] =	stream.indirect_vreg.gather [hbm4b:s5+s2], $0x80, v3, vm0, $0xb8;
	[tilespmem:$0x10080] =	vst v63  }
0x5c: {  	_ = 	snop  }
0x5d: {  	[tilespmem:s22], [sflag:$0x1] =	stream.indirect_vreg.gather [hbm4b:s6+s2], $0x80, v3, vm0, $0xb8;
	[tilespmem:$0x10080] =	vst v63  }
0x5e: {  	v3 =	vld [tilespmem:$0x30];
	_ =	sdelay $0x4  }
0x5f: {  	v63 =	vshll.u32 v3, $0x3  }
0x60: {  	v3 =	vand.u32 $0x7, v3;
	v4 =	vand.u32 $0xFFFFFFC0, v63  }
0x61: {  	v3 =	vor.u32 v3, v4  }
0x62: {  	v4 =	vperm.xlane v3, v0;
	_ =	sdelay $0x1  }
0x63: {  	v4 =	vadd.s32 v1, v4;
	_ =	sdelay $0x4  }
0x64: {  	[tilespmem:s23], [sflag:$0x1] =	stream.indirect_vreg.gather [hbm4b:s3+s2], $0x80, v4, vm0, $0xb8;
	[tilespmem:$0x10080] =	vst v63  }
0x65: {  	v3 =	vperm.xlane v3, v2  }
0x66: {  	[tilespmem:s24], [sflag:$0x1] =	stream.indirect_vreg.gather [hbm4b:s4+s2], $0x80, v4, vm0, $0xb8;
	[tilespmem:$0x10080] =	vst v63  }
0x67: {  	v3 =	vadd.s32 v1, v3  }
0x68: {  	[tilespmem:s25], [sflag:$0x1] =	stream.indirect_vreg.gather [hbm4b:s5+s2], $0x80, v4, vm0, $0xb8;
	[tilespmem:$0x10080] =	vst v63  }
0x69: {  	_ = 	snop  }
0x6a: {  	[tilespmem:s26], [sflag:$0x1] =	stream.indirect_vreg.gather [hbm4b:s6+s2], $0x80, v4, vm0, $0xb8;
	[tilespmem:$0x10080] =	vst v63  }
0x6b: {  	_ = 	snop  }
0x6c: {  	[tilespmem:s28], [sflag:$0x1] =	stream.indirect_vreg.gather [hbm4b:s3+s2], $0x80, v3, vm0, $0xb8;
	[tilespmem:$0x10080] =	vst v63  }
0x6d: {  	_ = 	snop  }
0x6e: {  	[tilespmem:s29], [sflag:$0x1] =	stream.indirect_vreg.gather [hbm4b:s4+s2], $0x80, v3, vm0, $0xb8;
	[tilespmem:$0x10080] =	vst v63  }
0x6f: {  	_ = 	snop  }
0x70: {  	[tilespmem:s30], [sflag:$0x1] =	stream.indirect_vreg.gather [hbm4b:s5+s2], $0x80, v3, vm0, $0xb8;
	[tilespmem:$0x10080] =	vst v63  }
0x71: {  	_ = 	snop  }
0x72: {  	[tilespmem:s31], [sflag:$0x1] =	stream.indirect_vreg.gather [hbm4b:s6+s2], $0x80, v3, vm0, $0xb8;
	[tilespmem:$0x10080] =	vst v63  }
0x73: {  	_ =	swait.ge [sflag:s1], $0x10000  }
0x74: {  	p0 =	sne.s32 s7, $0x1;
	[sflag:s1] =	ssyncset.done $0x0  }
.Ltmp0:
0x75: {  	s10 =	rddreg [dreg:$0x4];
	[sflag:s1] =	ssyncadd.s32 $0xFFFF0000;
	(pc) =	sbr.rel @p0 .LBB2_1-.Ltmp0, $4  }
0x76: {  	[hbm4b:s10+s2] =	stream.linear.scatter [tilespmem:s9], [sflag:$0x2], $0x10000, $0x38;
	[tilespmem:$0x10080] =	vst v63  }
0x77: {  	_ =	swait.ge [sflag:s8], $0x10000  }
0x78: {  	[sflag:s8] =	ssyncset.done $0x0  }
0x79: {  	s7 =	sadd.s32 $0xFFFFFFFF, s7;
	[sflag:s8] =	ssyncadd.s32 $0xFFFF0000  }
0x7a: {  	_ =	sfence.sel $0x180000  }
0x7b: {  	[bflag:$0x0] =	sbarrier.arrive $0xFFFF  }
0x7c: {  	_ =	strace $0x9000004A  }
0x7d: {  	s0 =	stileid.u32;
	[bflag:$0x2] =	sbarrier.arrive $0xFFFF  }
0x7e: {  	p0 =	sne.s32 s0, $0x0;
	s0 =	rddreg [dreg:$0x2]  }
0x7f: {  	s0 =	sadd.s32 @!p0 $0x100000, s0  }
0x80: {  	[sflag:s0] =	ssyncadd.tile.s32 @!p0 $0x1;
	_ =	shalt  }
.Lfunc_end2:
_tile_overlayer_lowered:
.L_overlay_start_2:
0x81: {  	(tag) =	ssettag $0x2  }
0x82: {  	s0 =	rddreg [dreg:$0x0];
	s2 =	stileid.u32  }
0x83: {  	s1 =	rddreg [dreg:$0x1];
	p0 =	sne.s32 s2, $0x0  }
0x84: {  	s3 =	rddreg [dreg:$0x2];
	[bflag:$0x3] =	sbarrier.arrive $0xFFFF;
	s2 =	simm.s32 @!p0 $0x1C02  }
0x85: {  	[timem:s3], [sflag:s2] =	dma.local @!p0 [hbm:s0], s1  }
0x86: {  	s0 =	simm.s32 @!p0 $0x2  }
0x87: {  	_ =	swait.ge @!p0 [sflag:s0], s1  }
0x88: {  	s1 =	ssub.s32 @!p0 $0x0, s1;
	[sflag:s0] =	ssyncset.done @!p0 $0x0  }
0x89: {  	[sflag:s0] =	ssyncadd.s32 @!p0 s1  }
0x8a: {  	[bflag:$0x3] =	sbarrier.arrive $0xFFFF  }
0x8b: {  	_ =	shalt  }

</sc_bundles>
